<compile_context>
chip_gen: v7x
topology: tpu7x:2x2x1
jax: 0.10.2.dev20260603
libtpu: 0.0.44.dev20260713+nightly
codegen_flags: <defaults>
</compile_context>

<pallas_src>
import functools

import jax
import jax.numpy as jnp
from jax import lax
from jax.experimental import pallas as pl
from jax.experimental.pallas import tpu as pltpu
from jax.experimental.pallas import tpu_sc as plsc

NC = 2
NS = 16
NW = NC * NS
L = 16
CHUNK = 128
TCB = 2000


def _round_up(v, m):
    return (v + m - 1) // m * m


def _sc_degree(dst3, n_pad):
    nch = dst3.shape[1]
    per = n_pad // NS
    mesh = plsc.VectorSubcoreMesh(core_axis_name="c", subcore_axis_name="s")

    @functools.partial(
        pl.kernel,
        out_type=jax.ShapeDtypeStruct((NC, NS, per), jnp.float32),
        mesh=mesh,
        scratch_types=[
            pltpu.VMEM((nch, CHUNK), jnp.int32),
            pltpu.VMEM((CHUNK,), jnp.float32),
            pltpu.VMEM((_round_up(per, L),), jnp.float32),
            pltpu.VMEM_SHARED((n_pad,), jnp.float32),
        ],
    )
    def deg_kernel(dst_hbm, out_hbm, idx_v, ones_v, zeros_v, deg_s):
        c = lax.axis_index("c")
        s = lax.axis_index("s")
        wid = c * NS + s
        pltpu.sync_copy(dst_hbm.at[wid], idx_v)
        for k in range(CHUNK // L):
            ones_v[pl.ds(k * L, L)] = jnp.ones((L,), jnp.float32)
        for k in range(_round_up(per, L) // L):
            zeros_v[pl.ds(k * L, L)] = jnp.zeros((L,), jnp.float32)
        pltpu.sync_copy(zeros_v.at[pl.ds(0, per)], deg_s.at[pl.ds(s * per, per)])
        plsc.subcore_barrier()

        def body(j, carry):
            pltpu.sync_copy(ones_v, deg_s.at[idx_v.at[j]], add=True)
            return carry

        lax.fori_loop(0, nch, body, 0)
        plsc.subcore_barrier()
        pltpu.sync_copy(deg_s.at[pl.ds(s * per, per)], out_hbm.at[c, s])

    return deg_kernel(dst3)


def _sc_aggregate(xs_pad, src3, dst3, n_pad):
    h = xs_pad.shape[1]
    nch = src3.shape[1]
    per = n_pad // NS
    mesh = plsc.VectorSubcoreMesh(core_axis_name="c", subcore_axis_name="s")

    @functools.partial(
        pl.kernel,
        out_type=jax.ShapeDtypeStruct((NW, per, h), jnp.float32),
        mesh=mesh,
        scratch_types=[
            pltpu.VMEM((CHUNK, h), jnp.float32),
            pltpu.VMEM((CHUNK, h), jnp.float32),
            pltpu.VMEM((CHUNK, h), jnp.float32),
            pltpu.VMEM((CHUNK,), jnp.int32),
            pltpu.VMEM((CHUNK,), jnp.int32),
            pltpu.VMEM((CHUNK,), jnp.int32),
            pltpu.VMEM((CHUNK,), jnp.int32),
            pltpu.VMEM((CHUNK,), jnp.int32),
            pltpu.VMEM((CHUNK,), jnp.int32),
            pltpu.VMEM_SHARED((n_pad, h), jnp.float32),
            pltpu.SemaphoreType.DMA,
            pltpu.SemaphoreType.DMA,
            pltpu.SemaphoreType.DMA,
            pltpu.SemaphoreType.DMA,
            pltpu.SemaphoreType.DMA,
            pltpu.SemaphoreType.DMA,
            pltpu.SemaphoreType.DMA,
            pltpu.SemaphoreType.DMA,
            pltpu.SemaphoreType.DMA,
            pltpu.SemaphoreType.DMA,
            pltpu.SemaphoreType.DMA,
            pltpu.SemaphoreType.DMA,
        ],
    )
    def agg_kernel(xs_hbm, src_hbm, dst_hbm, out_hbm,
                   r0, r1, r2, si0, si1, si2, di0, di1, di2, acc_s,
                   g0, g1, g2, c0, c1, c2, is0, is1, is2, id0, id1, id2):
        c = lax.axis_index("c")
        s = lax.axis_index("s")
        wid = c * NS + s
        rbuf = (r0, r1, r2)
        sibuf = (si0, si1, si2)
        dibuf = (di0, di1, di2)
        gsem = (g0, g1, g2)
        csem = (c0, c1, c2)
        isem = (is0, is1, is2)
        dsem = (id0, id1, id2)

        def start_idx(k, b):
            pltpu.async_copy(src_hbm.at[wid, k], sibuf[b], isem[b])
            pltpu.async_copy(dst_hbm.at[wid, k], dibuf[b], dsem[b])

        def wait_idx(b):
            pltpu.make_async_copy(src_hbm.at[wid, 0], sibuf[b], isem[b]).wait()
            pltpu.make_async_copy(dst_hbm.at[wid, 0], dibuf[b], dsem[b]).wait()

        def start_gather(b):
            pltpu.async_copy(xs_hbm.at[sibuf[b]], rbuf[b], gsem[b])

        def wait_gather(b):
            pltpu.make_async_copy(xs_hbm.at[sibuf[b]], rbuf[b], gsem[b]).wait()

        def start_scatter(b):
            pltpu.async_copy(rbuf[b], acc_s.at[dibuf[b]], csem[b], add=True)

        def wait_scatter(b):
            pltpu.make_async_copy(rbuf[b], acc_s.at[dibuf[b]], csem[b]).wait()

        zero = jnp.zeros((L,), jnp.float32)

        def zrow(i, carry):
            for k in range(h // L):
                r0[i, pl.ds(k * L, L)] = zero
            return carry

        lax.fori_loop(0, CHUNK, zrow, 0)
        nfull = per // CHUNK
        for b in range(nfull):
            pltpu.sync_copy(r0, acc_s.at[pl.ds(s * per + b * CHUNK, CHUNK)])
        rem = per - nfull * CHUNK
        if rem:
            pltpu.sync_copy(r0.at[pl.ds(0, rem)],
                            acc_s.at[pl.ds(s * per + nfull * CHUNK, rem)])
        plsc.subcore_barrier()

        start_idx(0, 0)
        start_idx(1, 1)
        wait_idx(0)
        start_gather(0)
        wait_idx(1)
        start_gather(1)
        wait_gather(0)
        start_scatter(0)
        start_idx(2, 2)

        def step(k, b):
            bp = (b + 2) % 3
            bn = (b + 1) % 3
            wait_idx(bn)
            start_gather(bn)
            wait_gather(b)
            start_scatter(b)
            wait_scatter(bp)
            start_idx(k + 2, bp)

        def trip(i, carry):
            k = 3 * i + 1
            step(k, 1)
            step(k + 1, 2)
            step(k + 2, 0)
            return carry

        lax.fori_loop(0, (nch - 3) // 3, trip, 0)
        b = (nch - 2) % 3
        bn = (b + 1) % 3
        bp = (b + 2) % 3
        wait_idx(bn)
        start_gather(bn)
        wait_gather(b)
        start_scatter(b)
        wait_scatter(bp)
        wait_gather(bn)
        start_scatter(bn)
        wait_scatter(b)
        wait_scatter(bn)

        plsc.subcore_barrier()

        pltpu.sync_copy(acc_s.at[pl.ds(s * per, per)], out_hbm.at[wid])

    return agg_kernel(xs_pad, src3, dst3)


def _transform_body(x_ref, w_ref, d_ref, o_ref):
    dtot = d_ref[:, 0:1] + d_ref[:, 1:2] + 1.0
    dinv = lax.rsqrt(dtot)
    xw = jnp.dot(x_ref[...], w_ref[...], preferred_element_type=jnp.float32)
    o_ref[...] = xw * dinv


def _tc_transform(x, w, deg_t, n_pad):
    n, din = x.shape
    h = w.shape[1]
    return pl.pallas_call(
        _transform_body,
        grid=(n // TCB,),
        in_specs=[
            pl.BlockSpec((TCB, din), lambda j: (j, 0)),
            pl.BlockSpec((din, h), lambda j: (0, 0)),
            pl.BlockSpec((TCB, NC), lambda j: (j, 0)),
        ],
        out_specs=pl.BlockSpec((TCB, h), lambda j: (j, 0)),
        out_shape=jax.ShapeDtypeStruct((n_pad, h), jnp.float32),
    )(x, w, deg_t)


def _final_body(a0_ref, a1_ref, xs_ref, d_ref, o_ref):
    dtot = d_ref[:, 0:1] + d_ref[:, 1:2] + 1.0
    dinv = lax.rsqrt(dtot)
    o_ref[...] = (a0_ref[...] + a1_ref[...] + xs_ref[...]) * dinv


def _tc_final(acc_flat, xs, deg_t, n_pad):
    h = xs.shape[1]
    nblk = 8
    blk = n_pad // nblk
    return pl.pallas_call(
        _final_body,
        grid=(nblk,),
        in_specs=[
            pl.BlockSpec((blk, h), lambda j: (j, 0)),
            pl.BlockSpec((blk, h), lambda j: (j + nblk, 0)),
            pl.BlockSpec((blk, h), lambda j: (j, 0)),
            pl.BlockSpec((blk, NC), lambda j: (j, 0)),
        ],
        out_specs=pl.BlockSpec((blk, h), lambda j: (j, 0)),
        out_shape=jax.ShapeDtypeStruct((n_pad, h), jnp.float32),
    )(acc_flat, acc_flat, xs, deg_t)


def kernel(x, edge_index, W):
    n, din = x.shape
    h = W.shape[1]
    e = edge_index.shape[1]

    n_pad = _round_up(n + 1, NS * 8)
    n_deg = _round_up(n + 1, NS * CHUNK)
    e_per = _round_up(-(-e // NW), 3 * CHUNK)
    e_pad = e_per * NW
    nch = e_per // CHUNK

    src = edge_index[0].astype(jnp.int32)
    dst = edge_index[1].astype(jnp.int32)
    pad = n + jnp.arange(e_pad - e, dtype=jnp.int32) % (n_pad - n)
    src3 = jnp.concatenate([src, pad]).reshape(NW, nch, CHUNK)
    dst3 = jnp.concatenate([dst, pad]).reshape(NW, nch, CHUNK)

    deg = _sc_degree(dst3, n_deg)
    deg_t = jnp.transpose(deg.reshape(NC, n_deg))
    xs = _tc_transform(x, W, deg_t[:n], n_pad)
    acc = _sc_aggregate(xs, src3, dst3, n_pad)
    out_pad = _tc_final(acc.reshape(NC * n_pad, h), xs, deg_t[:n_pad], n_pad)
    return out_pad[:n]

# --- scband reference (transcript-rebuilt; emitter-appended) ---
"""Pipeline reference for scband-gcn-22351009808409 (READ-ONLY COPY).

The authoritative reference and input builder live on the scoring server;
editing this copy changes nothing except your own understanding.
"""

import jax, jax.numpy as jnp
import numpy as np

N_NODES = 10000
IN_CH = 128
HID_CH = 128
N_EDGES = 320000


def setup_inputs(seed: int = 0) -> dict:
    key = jax.random.key(seed)
    k1, k2, k3 = jax.random.split(key, 3)
    x = jax.random.normal(k1, (N_NODES, IN_CH), dtype=jnp.float32)
    edge_index = jax.random.randint(k2, (2, N_EDGES), 0, N_NODES, dtype=jnp.int64)
    # GCNConv linear weight (no bias), glorot-style init
    W = jax.random.normal(k3, (IN_CH, HID_CH), dtype=jnp.float32) * (1.0 / np.sqrt(IN_CH))
    return {"x": x, "edge_index": edge_index, "W": W}


def reference(x, edge_index, W):
    # Faithful GCNConv (PyG semantics): add self-loops, symmetric normalization,
    # linear transform, then scatter-add aggregation at destination nodes.
    N = x.shape[0]
    loop = jnp.arange(N, dtype=edge_index.dtype)
    src = jnp.concatenate([edge_index[0], loop])
    dst = jnp.concatenate([edge_index[1], loop])
    # degree of destination nodes (edge_weight = 1)
    deg = jnp.zeros((N,), dtype=jnp.float32).at[dst].add(1.0)
    deg_inv_sqrt = jnp.where(deg > 0, 1.0 / jnp.sqrt(deg), 0.0)
    norm = deg_inv_sqrt[src] * deg_inv_sqrt[dst]
    # linear transform (bias=False)
    xw = x @ W
    # message passing: gather from src, scale, scatter-add to dst
    msg = xw[src] * norm[:, None]
    out = jnp.zeros((N, W.shape[1]), dtype=jnp.float32).at[dst].add(msg)
    return out

if __name__ == "__main__":
    import jax
    _d = setup_inputs()
    print(jax.jit(kernel)(*tuple(_d.values())))

</pallas_src>

<mosaic_0001>
#map = affine_map<(d0, d1) -> (0, 0, 0)>
module attributes {stable_mosaic.version = 14 : i64} {
  func.func @deg_kernel(%arg0: i32, %arg1: i32, %arg2: memref<32x81x128xi32, #tpu.memory_space<hbm>>, %arg3: memref<2x16x640xf32, #tpu.memory_space<hbm>>, %arg4: memref<81x128xi32, #tpu.memory_space<vmem>>, %arg5: memref<128xf32, #tpu.memory_space<vmem>>, %arg6: memref<640xf32, #tpu.memory_space<vmem>>, %arg7: memref<10240xf32, #tpu.memory_space<vmem_shared>>) attributes {dimension_semantics = [#tpu.dimension_semantics<core_parallel>, #tpu.dimension_semantics<subcore_parallel>], iteration_bounds = array<i64: 2, 16>, scalar_prefetch = 0 : i64, scratch_operands = 4 : i64, tpu.core_type = #tpu.core_type<sc_vector_subcore>, window_params = [{transform_indices = #map}, {transform_indices = #map}]} {
    %mul3A = arith.constant 16 : i32
    %mul3A_0 = arith.muli %arg0, %mul3A : i32
    %add3A = arith.addi %mul3A_0, %arg1 : i32
    "tpu.region"() ({
      %run_scoped3A = tpu.sem_alloc : memref<!tpu.dma_semaphore, #tpu.memory_space<semaphore_mem>>
      %dma_start3A = arith.constant 0 : i32
      %dma_start3A_297 = arith.constant 0 : i32
      %dma_start3A_298 = tpu.memref_slice %arg2[%add3A, %dma_start3A, %dma_start3A_297] : memref<32x81x128xi32, #tpu.memory_space<hbm>> -> memref<1x81x128xi32, #tpu.memory_space<hbm>>
      %dma_start3A_299 = tpu.memref_squeeze %dma_start3A_298 : memref<1x81x128xi32, #tpu.memory_space<hbm>> -> memref<81x128xi32, #tpu.memory_space<hbm>>
      %dma_start3A_300 = arith.constant 0 : i32
      %dma_start3A_301 = arith.constant 0 : i32
      %dma_start3A_302 = tpu.memref_slice %arg2[%add3A, %dma_start3A_300, %dma_start3A_301] : memref<32x81x128xi32, #tpu.memory_space<hbm>> -> memref<1x81x128xi32, #tpu.memory_space<hbm>>
      %dma_start3A_303 = tpu.memref_squeeze %dma_start3A_302 : memref<1x81x128xi32, #tpu.memory_space<hbm>> -> memref<81x128xi32, #tpu.memory_space<hbm>>
      tpu.enqueue_dma source(%dma_start3A_303 : memref<81x128xi32, #tpu.memory_space<hbm>>) target(%arg4 : memref<81x128xi32, #tpu.memory_space<vmem>>) target_semaphore(%run_scoped3A : memref<!tpu.dma_semaphore, #tpu.memory_space<semaphore_mem>>)
      %dma_wait3A = arith.constant 0 : i32
      %dma_wait3A_304 = arith.constant 0 : i32
      %dma_wait3A_305 = tpu.memref_slice %arg2[%add3A, %dma_wait3A, %dma_wait3A_304] : memref<32x81x128xi32, #tpu.memory_space<hbm>> -> memref<1x81x128xi32, #tpu.memory_space<hbm>>
      %dma_wait3A_306 = tpu.memref_squeeze %dma_wait3A_305 : memref<1x81x128xi32, #tpu.memory_space<hbm>> -> memref<81x128xi32, #tpu.memory_space<hbm>>
      %dma_wait3A_307 = arith.constant 0 : i32
      %dma_wait3A_308 = arith.constant 0 : i32
      %dma_wait3A_309 = tpu.memref_slice %arg2[%add3A, %dma_wait3A_307, %dma_wait3A_308] : memref<32x81x128xi32, #tpu.memory_space<hbm>> -> memref<1x81x128xi32, #tpu.memory_space<hbm>>
      %dma_wait3A_310 = tpu.memref_squeeze %dma_wait3A_309 : memref<1x81x128xi32, #tpu.memory_space<hbm>> -> memref<81x128xi32, #tpu.memory_space<hbm>>
      tpu.wait_dma2 semaphore(%run_scoped3A : memref<!tpu.dma_semaphore, #tpu.memory_space<semaphore_mem>>) src(%dma_wait3A_310 : memref<81x128xi32, #tpu.memory_space<hbm>>) dst(%arg4 : memref<81x128xi32, #tpu.memory_space<vmem>>)
      tpu.yield
    }) : () -> ()
    %broadcast_in_dim3A = arith.constant 1.000000e+00 : f32
    %broadcast_in_dim3A_1 = vector.broadcast %broadcast_in_dim3A : f32 to vector<16xf32>
    %swap3A = arith.constant 0 : index
    %swap3A_2 = tpu.vector_load %arg5[%swap3A] {strides = array<i32>} : memref<128xf32, #tpu.memory_space<vmem>>, vector<16xf32>,
    %swap3A_3 = vector.shape_cast %swap3A_2 : vector<16xf32> to vector<16xf32>
    %swap3A_4 = vector.shape_cast %broadcast_in_dim3A_1 : vector<16xf32> to vector<16xf32>
    tpu.vector_store %arg5[%swap3A], %swap3A_4 {strides = array<i32>} : memref<128xf32, #tpu.memory_space<vmem>>, vector<16xf32>,
    %broadcast_in_dim3A_5 = arith.constant 1.000000e+00 : f32
    %broadcast_in_dim3A_6 = vector.broadcast %broadcast_in_dim3A_5 : f32 to vector<16xf32>
    %swap3A_7 = arith.constant 16 : index
    %swap3A_8 = tpu.vector_load %arg5[%swap3A_7] {strides = array<i32>} : memref<128xf32, #tpu.memory_space<vmem>>, vector<16xf32>,
    %swap3A_9 = vector.shape_cast %swap3A_8 : vector<16xf32> to vector<16xf32>
    %swap3A_10 = vector.shape_cast %broadcast_in_dim3A_6 : vector<16xf32> to vector<16xf32>
    tpu.vector_store %arg5[%swap3A_7], %swap3A_10 {strides = array<i32>} : memref<128xf32, #tpu.memory_space<vmem>>, vector<16xf32>,
    %broadcast_in_dim3A_11 = arith.constant 1.000000e+00 : f32
    %broadcast_in_dim3A_12 = vector.broadcast %broadcast_in_dim3A_11 : f32 to vector<16xf32>
    %swap3A_13 = arith.constant 32 : index
    %swap3A_14 = tpu.vector_load %arg5[%swap3A_13] {strides = array<i32>} : memref<128xf32, #tpu.memory_space<vmem>>, vector<16xf32>,
    %swap3A_15 = vector.shape_cast %swap3A_14 : vector<16xf32> to vector<16xf32>
    %swap3A_16 = vector.shape_cast %broadcast_in_dim3A_12 : vector<16xf32> to vector<16xf32>
    tpu.vector_store %arg5[%swap3A_13], %swap3A_16 {strides = array<i32>} : memref<128xf32, #tpu.memory_space<vmem>>, vector<16xf32>,
    %broadcast_in_dim3A_17 = arith.constant 1.000000e+00 : f32
    %broadcast_in_dim3A_18 = vector.broadcast %broadcast_in_dim3A_17 : f32 to vector<16xf32>
    %swap3A_19 = arith.constant 48 : index
    %swap3A_20 = tpu.vector_load %arg5[%swap3A_19] {strides = array<i32>} : memref<128xf32, #tpu.memory_space<vmem>>, vector<16xf32>,
    %swap3A_21 = vector.shape_cast %swap3A_20 : vector<16xf32> to vector<16xf32>
    %swap3A_22 = vector.shape_cast %broadcast_in_dim3A_18 : vector<16xf32> to vector<16xf32>
    tpu.vector_store %arg5[%swap3A_19], %swap3A_22 {strides = array<i32>} : memref<128xf32, #tpu.memory_space<vmem>>, vector<16xf32>,
    %broadcast_in_dim3A_23 = arith.constant 1.000000e+00 : f32
    %broadcast_in_dim3A_24 = vector.broadcast %broadcast_in_dim3A_23 : f32 to vector<16xf32>
    %swap3A_25 = arith.constant 64 : index
    %swap3A_26 = tpu.vector_load %arg5[%swap3A_25] {strides = array<i32>} : memref<128xf32, #tpu.memory_space<vmem>>, vector<16xf32>,
    %swap3A_27 = vector.shape_cast %swap3A_26 : vector<16xf32> to vector<16xf32>
    %swap3A_28 = vector.shape_cast %broadcast_in_dim3A_24 : vector<16xf32> to vector<16xf32>
    tpu.vector_store %arg5[%swap3A_25], %swap3A_28 {strides = array<i32>} : memref<128xf32, #tpu.memory_space<vmem>>, vector<16xf32>,
    %broadcast_in_dim3A_29 = arith.constant 1.000000e+00 : f32
    %broadcast_in_dim3A_30 = vector.broadcast %broadcast_in_dim3A_29 : f32 to vector<16xf32>
    %swap3A_31 = arith.constant 80 : index
    %swap3A_32 = tpu.vector_load %arg5[%swap3A_31] {strides = array<i32>} : memref<128xf32, #tpu.memory_space<vmem>>, vector<16xf32>,
    %swap3A_33 = vector.shape_cast %swap3A_32 : vector<16xf32> to vector<16xf32>
    %swap3A_34 = vector.shape_cast %broadcast_in_dim3A_30 : vector<16xf32> to vector<16xf32>
    tpu.vector_store %arg5[%swap3A_31], %swap3A_34 {strides = array<i32>} : memref<128xf32, #tpu.memory_space<vmem>>, vector<16xf32>,
    %broadcast_in_dim3A_35 = arith.constant 1.000000e+00 : f32
    %broadcast_in_dim3A_36 = vector.broadcast %broadcast_in_dim3A_35 : f32 to vector<16xf32>
    %swap3A_37 = arith.constant 96 : index
    %swap3A_38 = tpu.vector_load %arg5[%swap3A_37] {strides = array<i32>} : memref<128xf32, #tpu.memory_space<vmem>>, vector<16xf32>,
    %swap3A_39 = vector.shape_cast %swap3A_38 : vector<16xf32> to vector<16xf32>
    %swap3A_40 = vector.shape_cast %broadcast_in_dim3A_36 : vector<16xf32> to vector<16xf32>
    tpu.vector_store %arg5[%swap3A_37], %swap3A_40 {strides = array<i32>} : memref<128xf32, #tpu.memory_space<vmem>>, vector<16xf32>,
    %broadcast_in_dim3A_41 = arith.constant 1.000000e+00 : f32
    %broadcast_in_dim3A_42 = vector.broadcast %broadcast_in_dim3A_41 : f32 to vector<16xf32>
    %swap3A_43 = arith.constant 112 : index
    %swap3A_44 = tpu.vector_load %arg5[%swap3A_43] {strides = array<i32>} : memref<128xf32, #tpu.memory_space<vmem>>, vector<16xf32>,
    %swap3A_45 = vector.shape_cast %swap3A_44 : vector<16xf32> to vector<16xf32>
    %swap3A_46 = vector.shape_cast %broadcast_in_dim3A_42 : vector<16xf32> to vector<16xf32>
    tpu.vector_store %arg5[%swap3A_43], %swap3A_46 {strides = array<i32>} : memref<128xf32, #tpu.memory_space<vmem>>, vector<16xf32>,
    %broadcast_in_dim3A_47 = arith.constant 0.000000e+00 : f32
    %broadcast_in_dim3A_48 = vector.broadcast %broadcast_in_dim3A_47 : f32 to vector<16xf32>
    %swap3A_49 = arith.constant 0 : index
    %swap3A_50 = tpu.vector_load %arg6[%swap3A_49] {strides = array<i32>} : memref<640xf32, #tpu.memory_space<vmem>>, vector<16xf32>,
    %swap3A_51 = vector.shape_cast %swap3A_50 : vector<16xf32> to vector<16xf32>
    %swap3A_52 = vector.shape_cast %broadcast_in_dim3A_48 : vector<16xf32> to vector<16xf32>
    tpu.vector_store %arg6[%swap3A_49], %swap3A_52 {strides = array<i32>} : memref<640xf32, #tpu.memory_space<vmem>>, vector<16xf32>,
    %broadcast_in_dim3A_53 = arith.constant 0.000000e+00 : f32
    %broadcast_in_dim3A_54 = vector.broadcast %broadcast_in_dim3A_53 : f32 to vector<16xf32>
    %swap3A_55 = arith.constant 16 : index
    %swap3A_56 = tpu.vector_load %arg6[%swap3A_55] {strides = array<i32>} : memref<640xf32, #tpu.memory_space<vmem>>, vector<16xf32>,
    %swap3A_57 = vector.shape_cast %swap3A_56 : vector<16xf32> to vector<16xf32>
    %swap3A_58 = vector.shape_cast %broadcast_in_dim3A_54 : vector<16xf32> to vector<16xf32>
    tpu.vector_store %arg6[%swap3A_55], %swap3A_58 {strides = array<i32>} : memref<640xf32, #tpu.memory_space<vmem>>, vector<16xf32>,
    %broadcast_in_dim3A_59 = arith.constant 0.000000e+00 : f32
    %broadcast_in_dim3A_60 = vector.broadcast %broadcast_in_dim3A_59 : f32 to vector<16xf32>
    %swap3A_61 = arith.constant 32 : index
    %swap3A_62 = tpu.vector_load %arg6[%swap3A_61] {strides = array<i32>} : memref<640xf32, #tpu.memory_space<vmem>>, vector<16xf32>,
    %swap3A_63 = vector.shape_cast %swap3A_62 : vector<16xf32> to vector<16xf32>
    %swap3A_64 = vector.shape_cast %broadcast_in_dim3A_60 : vector<16xf32> to vector<16xf32>
    tpu.vector_store %arg6[%swap3A_61], %swap3A_64 {strides = array<i32>} : memref<640xf32, #tpu.memory_space<vmem>>, vector<16xf32>,
    %broadcast_in_dim3A_65 = arith.constant 0.000000e+00 : f32
    %broadcast_in_dim3A_66 = vector.broadcast %broadcast_in_dim3A_65 : f32 to vector<16xf32>
    %swap3A_67 = arith.constant 48 : index
    %swap3A_68 = tpu.vector_load %arg6[%swap3A_67] {strides = array<i32>} : memref<640xf32, #tpu.memory_space<vmem>>, vector<16xf32>,
    %swap3A_69 = vector.shape_cast %swap3A_68 : vector<16xf32> to vector<16xf32>
    %swap3A_70 = vector.shape_cast %broadcast_in_dim3A_66 : vector<16xf32> to vector<16xf32>
    tpu.vector_store %arg6[%swap3A_67], %swap3A_70 {strides = array<i32>} : memref<640xf32, #tpu.memory_space<vmem>>, vector<16xf32>,
    %broadcast_in_dim3A_71 = arith.constant 0.000000e+00 : f32
    %broadcast_in_dim3A_72 = vector.broadcast %broadcast_in_dim3A_71 : f32 to vector<16xf32>
    %swap3A_73 = arith.constant 64 : index
    %swap3A_74 = tpu.vector_load %arg6[%swap3A_73] {strides = array<i32>} : memref<640xf32, #tpu.memory_space<vmem>>, vector<16xf32>,
    %swap3A_75 = vector.shape_cast %swap3A_74 : vector<16xf32> to vector<16xf32>
    %swap3A_76 = vector.shape_cast %broadcast_in_dim3A_72 : vector<16xf32> to vector<16xf32>
    tpu.vector_store %arg6[%swap3A_73], %swap3A_76 {strides = array<i32>} : memref<640xf32, #tpu.memory_space<vmem>>, vector<16xf32>,
    %broadcast_in_dim3A_77 = arith.constant 0.000000e+00 : f32
    %broadcast_in_dim3A_78 = vector.broadcast %broadcast_in_dim3A_77 : f32 to vector<16xf32>
    %swap3A_79 = arith.constant 80 : index
    %swap3A_80 = tpu.vector_load %arg6[%swap3A_79] {strides = array<i32>} : memref<640xf32, #tpu.memory_space<vmem>>, vector<16xf32>,
    %swap3A_81 = vector.shape_cast %swap3A_80 : vector<16xf32> to vector<16xf32>
    %swap3A_82 = vector.shape_cast %broadcast_in_dim3A_78 : vector<16xf32> to vector<16xf32>
    tpu.vector_store %arg6[%swap3A_79], %swap3A_82 {strides = array<i32>} : memref<640xf32, #tpu.memory_space<vmem>>, vector<16xf32>,
    %broadcast_in_dim3A_83 = arith.constant 0.000000e+00 : f32
    %broadcast_in_dim3A_84 = vector.broadcast %broadcast_in_dim3A_83 : f32 to vector<16xf32>
    %swap3A_85 = arith.constant 96 : index
    %swap3A_86 = tpu.vector_load %arg6[%swap3A_85] {strides = array<i32>} : memref<640xf32, #tpu.memory_space<vmem>>, vector<16xf32>,
    %swap3A_87 = vector.shape_cast %swap3A_86 : vector<16xf32> to vector<16xf32>
    %swap3A_88 = vector.shape_cast %broadcast_in_dim3A_84 : vector<16xf32> to vector<16xf32>
    tpu.vector_store %arg6[%swap3A_85], %swap3A_88 {strides = array<i32>} : memref<640xf32, #tpu.memory_space<vmem>>, vector<16xf32>,
    %broadcast_in_dim3A_89 = arith.constant 0.000000e+00 : f32
    %broadcast_in_dim3A_90 = vector.broadcast %broadcast_in_dim3A_89 : f32 to vector<16xf32>
    %swap3A_91 = arith.constant 112 : index
    %swap3A_92 = tpu.vector_load %arg6[%swap3A_91] {strides = array<i32>} : memref<640xf32, #tpu.memory_space<vmem>>, vector<16xf32>,
    %swap3A_93 = vector.shape_cast %swap3A_92 : vector<16xf32> to vector<16xf32>
    %swap3A_94 = vector.shape_cast %broadcast_in_dim3A_90 : vector<16xf32> to vector<16xf32>
    tpu.vector_store %arg6[%swap3A_91], %swap3A_94 {strides = array<i32>} : memref<640xf32, #tpu.memory_space<vmem>>, vector<16xf32>,
    %broadcast_in_dim3A_95 = arith.constant 0.000000e+00 : f32
    %broadcast_in_dim3A_96 = vector.broadcast %broadcast_in_dim3A_95 : f32 to vector<16xf32>
    %swap3A_97 = arith.constant 128 : index
    %swap3A_98 = tpu.vector_load %arg6[%swap3A_97] {strides = array<i32>} : memref<640xf32, #tpu.memory_space<vmem>>, vector<16xf32>,
    %swap3A_99 = vector.shape_cast %swap3A_98 : vector<16xf32> to vector<16xf32>
    %swap3A_100 = vector.shape_cast %broadcast_in_dim3A_96 : vector<16xf32> to vector<16xf32>
    tpu.vector_store %arg6[%swap3A_97], %swap3A_100 {strides = array<i32>} : memref<640xf32, #tpu.memory_space<vmem>>, vector<16xf32>,
    %broadcast_in_dim3A_101 = arith.constant 0.000000e+00 : f32
    %broadcast_in_dim3A_102 = vector.broadcast %broadcast_in_dim3A_101 : f32 to vector<16xf32>
    %swap3A_103 = arith.constant 144 : index
    %swap3A_104 = tpu.vector_load %arg6[%swap3A_103] {strides = array<i32>} : memref<640xf32, #tpu.memory_space<vmem>>, vector<16xf32>,
    %swap3A_105 = vector.shape_cast %swap3A_104 : vector<16xf32> to vector<16xf32>
    %swap3A_106 = vector.shape_cast %broadcast_in_dim3A_102 : vector<16xf32> to vector<16xf32>
    tpu.vector_store %arg6[%swap3A_103], %swap3A_106 {strides = array<i32>} : memref<640xf32, #tpu.memory_space<vmem>>, vector<16xf32>,
    %broadcast_in_dim3A_107 = arith.constant 0.000000e+00 : f32
    %broadcast_in_dim3A_108 = vector.broadcast %broadcast_in_dim3A_107 : f32 to vector<16xf32>
    %swap3A_109 = arith.constant 160 : index
    %swap3A_110 = tpu.vector_load %arg6[%swap3A_109] {strides = array<i32>} : memref<640xf32, #tpu.memory_space<vmem>>, vector<16xf32>,
    %swap3A_111 = vector.shape_cast %swap3A_110 : vector<16xf32> to vector<16xf32>
    %swap3A_112 = vector.shape_cast %broadcast_in_dim3A_108 : vector<16xf32> to vector<16xf32>
    tpu.vector_store %arg6[%swap3A_109], %swap3A_112 {strides = array<i32>} : memref<640xf32, #tpu.memory_space<vmem>>, vector<16xf32>,
    %broadcast_in_dim3A_113 = arith.constant 0.000000e+00 : f32
    %broadcast_in_dim3A_114 = vector.broadcast %broadcast_in_dim3A_113 : f32 to vector<16xf32>
    %swap3A_115 = arith.constant 176 : index
    %swap3A_116 = tpu.vector_load %arg6[%swap3A_115] {strides = array<i32>} : memref<640xf32, #tpu.memory_space<vmem>>, vector<16xf32>,
    %swap3A_117 = vector.shape_cast %swap3A_116 : vector<16xf32> to vector<16xf32>
    %swap3A_118 = vector.shape_cast %broadcast_in_dim3A_114 : vector<16xf32> to vector<16xf32>
    tpu.vector_store %arg6[%swap3A_115], %swap3A_118 {strides = array<i32>} : memref<640xf32, #tpu.memory_space<vmem>>, vector<16xf32>,
    %broadcast_in_dim3A_119 = arith.constant 0.000000e+00 : f32
    %broadcast_in_dim3A_120 = vector.broadcast %broadcast_in_dim3A_119 : f32 to vector<16xf32>
    %swap3A_121 = arith.constant 192 : index
    %swap3A_122 = tpu.vector_load %arg6[%swap3A_121] {strides = array<i32>} : memref<640xf32, #tpu.memory_space<vmem>>, vector<16xf32>,
    %swap3A_123 = vector.shape_cast %swap3A_122 : vector<16xf32> to vector<16xf32>
    %swap3A_124 = vector.shape_cast %broadcast_in_dim3A_120 : vector<16xf32> to vector<16xf32>
    tpu.vector_store %arg6[%swap3A_121], %swap3A_124 {strides = array<i32>} : memref<640xf32, #tpu.memory_space<vmem>>, vector<16xf32>,
    %broadcast_in_dim3A_125 = arith.constant 0.000000e+00 : f32
    %broadcast_in_dim3A_126 = vector.broadcast %broadcast_in_dim3A_125 : f32 to vector<16xf32>
    %swap3A_127 = arith.constant 208 : index
    %swap3A_128 = tpu.vector_load %arg6[%swap3A_127] {strides = array<i32>} : memref<640xf32, #tpu.memory_space<vmem>>, vector<16xf32>,
    %swap3A_129 = vector.shape_cast %swap3A_128 : vector<16xf32> to vector<16xf32>
    %swap3A_130 = vector.shape_cast %broadcast_in_dim3A_126 : vector<16xf32> to vector<16xf32>
    tpu.vector_store %arg6[%swap3A_127], %swap3A_130 {strides = array<i32>} : memref<640xf32, #tpu.memory_space<vmem>>, vector<16xf32>,
    %broadcast_in_dim3A_131 = arith.constant 0.000000e+00 : f32
    %broadcast_in_dim3A_132 = vector.broadcast %broadcast_in_dim3A_131 : f32 to vector<16xf32>
    %swap3A_133 = arith.constant 224 : index
    %swap3A_134 = tpu.vector_load %arg6[%swap3A_133] {strides = array<i32>} : memref<640xf32, #tpu.memory_space<vmem>>, vector<16xf32>,
    %swap3A_135 = vector.shape_cast %swap3A_134 : vector<16xf32> to vector<16xf32>
    %swap3A_136 = vector.shape_cast %broadcast_in_dim3A_132 : vector<16xf32> to vector<16xf32>
    tpu.vector_store %arg6[%swap3A_133], %swap3A_136 {strides = array<i32>} : memref<640xf32, #tpu.memory_space<vmem>>, vector<16xf32>,
    %broadcast_in_dim3A_137 = arith.constant 0.000000e+00 : f32
    %broadcast_in_dim3A_138 = vector.broadcast %broadcast_in_dim3A_137 : f32 to vector<16xf32>
    %swap3A_139 = arith.constant 240 : index
    %swap3A_140 = tpu.vector_load %arg6[%swap3A_139] {strides = array<i32>} : memref<640xf32, #tpu.memory_space<vmem>>, vector<16xf32>,
    %swap3A_141 = vector.shape_cast %swap3A_140 : vector<16xf32> to vector<16xf32>
    %swap3A_142 = vector.shape_cast %broadcast_in_dim3A_138 : vector<16xf32> to vector<16xf32>
    tpu.vector_store %arg6[%swap3A_139], %swap3A_142 {strides = array<i32>} : memref<640xf32, #tpu.memory_space<vmem>>, vector<16xf32>,
    %broadcast_in_dim3A_143 = arith.constant 0.000000e+00 : f32
    %broadcast_in_dim3A_144 = vector.broadcast %broadcast_in_dim3A_143 : f32 to vector<16xf32>
    %swap3A_145 = arith.constant 256 : index
    %swap3A_146 = tpu.vector_load %arg6[%swap3A_145] {strides = array<i32>} : memref<640xf32, #tpu.memory_space<vmem>>, vector<16xf32>,
    %swap3A_147 = vector.shape_cast %swap3A_146 : vector<16xf32> to vector<16xf32>
    %swap3A_148 = vector.shape_cast %broadcast_in_dim3A_144 : vector<16xf32> to vector<16xf32>
    tpu.vector_store %arg6[%swap3A_145], %swap3A_148 {strides = array<i32>} : memref<640xf32, #tpu.memory_space<vmem>>, vector<16xf32>,
    %broadcast_in_dim3A_149 = arith.constant 0.000000e+00 : f32
    %broadcast_in_dim3A_150 = vector.broadcast %broadcast_in_dim3A_149 : f32 to vector<16xf32>
    %swap3A_151 = arith.constant 272 : index
    %swap3A_152 = tpu.vector_load %arg6[%swap3A_151] {strides = array<i32>} : memref<640xf32, #tpu.memory_space<vmem>>, vector<16xf32>,
    %swap3A_153 = vector.shape_cast %swap3A_152 : vector<16xf32> to vector<16xf32>
    %swap3A_154 = vector.shape_cast %broadcast_in_dim3A_150 : vector<16xf32> to vector<16xf32>
    tpu.vector_store %arg6[%swap3A_151], %swap3A_154 {strides = array<i32>} : memref<640xf32, #tpu.memory_space<vmem>>, vector<16xf32>,
    %broadcast_in_dim3A_155 = arith.constant 0.000000e+00 : f32
    %broadcast_in_dim3A_156 = vector.broadcast %broadcast_in_dim3A_155 : f32 to vector<16xf32>
    %swap3A_157 = arith.constant 288 : index
    %swap3A_158 = tpu.vector_load %arg6[%swap3A_157] {strides = array<i32>} : memref<640xf32, #tpu.memory_space<vmem>>, vector<16xf32>,
    %swap3A_159 = vector.shape_cast %swap3A_158 : vector<16xf32> to vector<16xf32>
    %swap3A_160 = vector.shape_cast %broadcast_in_dim3A_156 : vector<16xf32> to vector<16xf32>
    tpu.vector_store %arg6[%swap3A_157], %swap3A_160 {strides = array<i32>} : memref<640xf32, #tpu.memory_space<vmem>>, vector<16xf32>,
    %broadcast_in_dim3A_161 = arith.constant 0.000000e+00 : f32
    %broadcast_in_dim3A_162 = vector.broadcast %broadcast_in_dim3A_161 : f32 to vector<16xf32>
    %swap3A_163 = arith.constant 304 : index
    %swap3A_164 = tpu.vector_load %arg6[%swap3A_163] {strides = array<i32>} : memref<640xf32, #tpu.memory_space<vmem>>, vector<16xf32>,
    %swap3A_165 = vector.shape_cast %swap3A_164 : vector<16xf32> to vector<16xf32>
    %swap3A_166 = vector.shape_cast %broadcast_in_dim3A_162 : vector<16xf32> to vector<16xf32>
    tpu.vector_store %arg6[%swap3A_163], %swap3A_166 {strides = array<i32>} : memref<640xf32, #tpu.memory_space<vmem>>, vector<16xf32>,
    %broadcast_in_dim3A_167 = arith.constant 0.000000e+00 : f32
    %broadcast_in_dim3A_168 = vector.broadcast %broadcast_in_dim3A_167 : f32 to vector<16xf32>
    %swap3A_169 = arith.constant 320 : index
    %swap3A_170 = tpu.vector_load %arg6[%swap3A_169] {strides = array<i32>} : memref<640xf32, #tpu.memory_space<vmem>>, vector<16xf32>,
    %swap3A_171 = vector.shape_cast %swap3A_170 : vector<16xf32> to vector<16xf32>
    %swap3A_172 = vector.shape_cast %broadcast_in_dim3A_168 : vector<16xf32> to vector<16xf32>
    tpu.vector_store %arg6[%swap3A_169], %swap3A_172 {strides = array<i32>} : memref<640xf32, #tpu.memory_space<vmem>>, vector<16xf32>,
    %broadcast_in_dim3A_173 = arith.constant 0.000000e+00 : f32
    %broadcast_in_dim3A_174 = vector.broadcast %broadcast_in_dim3A_173 : f32 to vector<16xf32>
    %swap3A_175 = arith.constant 336 : index
    %swap3A_176 = tpu.vector_load %arg6[%swap3A_175] {strides = array<i32>} : memref<640xf32, #tpu.memory_space<vmem>>, vector<16xf32>,
    %swap3A_177 = vector.shape_cast %swap3A_176 : vector<16xf32> to vector<16xf32>
    %swap3A_178 = vector.shape_cast %broadcast_in_dim3A_174 : vector<16xf32> to vector<16xf32>
    tpu.vector_store %arg6[%swap3A_175], %swap3A_178 {strides = array<i32>} : memref<640xf32, #tpu.memory_space<vmem>>, vector<16xf32>,
    %broadcast_in_dim3A_179 = arith.constant 0.000000e+00 : f32
    %broadcast_in_dim3A_180 = vector.broadcast %broadcast_in_dim3A_179 : f32 to vector<16xf32>
    %swap3A_181 = arith.constant 352 : index
    %swap3A_182 = tpu.vector_load %arg6[%swap3A_181] {strides = array<i32>} : memref<640xf32, #tpu.memory_space<vmem>>, vector<16xf32>,
    %swap3A_183 = vector.shape_cast %swap3A_182 : vector<16xf32> to vector<16xf32>
    %swap3A_184 = vector.shape_cast %broadcast_in_dim3A_180 : vector<16xf32> to vector<16xf32>
    tpu.vector_store %arg6[%swap3A_181], %swap3A_184 {strides = array<i32>} : memref<640xf32, #tpu.memory_space<vmem>>, vector<16xf32>,
    %broadcast_in_dim3A_185 = arith.constant 0.000000e+00 : f32
    %broadcast_in_dim3A_186 = vector.broadcast %broadcast_in_dim3A_185 : f32 to vector<16xf32>
    %swap3A_187 = arith.constant 368 : index
    %swap3A_188 = tpu.vector_load %arg6[%swap3A_187] {strides = array<i32>} : memref<640xf32, #tpu.memory_space<vmem>>, vector<16xf32>,
    %swap3A_189 = vector.shape_cast %swap3A_188 : vector<16xf32> to vector<16xf32>
    %swap3A_190 = vector.shape_cast %broadcast_in_dim3A_186 : vector<16xf32> to vector<16xf32>
    tpu.vector_store %arg6[%swap3A_187], %swap3A_190 {strides = array<i32>} : memref<640xf32, #tpu.memory_space<vmem>>, vector<16xf32>,
    %broadcast_in_dim3A_191 = arith.constant 0.000000e+00 : f32
    %broadcast_in_dim3A_192 = vector.broadcast %broadcast_in_dim3A_191 : f32 to vector<16xf32>
    %swap3A_193 = arith.constant 384 : index
    %swap3A_194 = tpu.vector_load %arg6[%swap3A_193] {strides = array<i32>} : memref<640xf32, #tpu.memory_space<vmem>>, vector<16xf32>,
    %swap3A_195 = vector.shape_cast %swap3A_194 : vector<16xf32> to vector<16xf32>
    %swap3A_196 = vector.shape_cast %broadcast_in_dim3A_192 : vector<16xf32> to vector<16xf32>
    tpu.vector_store %arg6[%swap3A_193], %swap3A_196 {strides = array<i32>} : memref<640xf32, #tpu.memory_space<vmem>>, vector<16xf32>,
    %broadcast_in_dim3A_197 = arith.constant 0.000000e+00 : f32
    %broadcast_in_dim3A_198 = vector.broadcast %broadcast_in_dim3A_197 : f32 to vector<16xf32>
    %swap3A_199 = arith.constant 400 : index
    %swap3A_200 = tpu.vector_load %arg6[%swap3A_199] {strides = array<i32>} : memref<640xf32, #tpu.memory_space<vmem>>, vector<16xf32>,
    %swap3A_201 = vector.shape_cast %swap3A_200 : vector<16xf32> to vector<16xf32>
    %swap3A_202 = vector.shape_cast %broadcast_in_dim3A_198 : vector<16xf32> to vector<16xf32>
    tpu.vector_store %arg6[%swap3A_199], %swap3A_202 {strides = array<i32>} : memref<640xf32, #tpu.memory_space<vmem>>, vector<16xf32>,
    %broadcast_in_dim3A_203 = arith.constant 0.000000e+00 : f32
    %broadcast_in_dim3A_204 = vector.broadcast %broadcast_in_dim3A_203 : f32 to vector<16xf32>
    %swap3A_205 = arith.constant 416 : index
    %swap3A_206 = tpu.vector_load %arg6[%swap3A_205] {strides = array<i32>} : memref<640xf32, #tpu.memory_space<vmem>>, vector<16xf32>,
    %swap3A_207 = vector.shape_cast %swap3A_206 : vector<16xf32> to vector<16xf32>
    %swap3A_208 = vector.shape_cast %broadcast_in_dim3A_204 : vector<16xf32> to vector<16xf32>
    tpu.vector_store %arg6[%swap3A_205], %swap3A_208 {strides = array<i32>} : memref<640xf32, #tpu.memory_space<vmem>>, vector<16xf32>,
    %broadcast_in_dim3A_209 = arith.constant 0.000000e+00 : f32
    %broadcast_in_dim3A_210 = vector.broadcast %broadcast_in_dim3A_209 : f32 to vector<16xf32>
    %swap3A_211 = arith.constant 432 : index
    %swap3A_212 = tpu.vector_load %arg6[%swap3A_211] {strides = array<i32>} : memref<640xf32, #tpu.memory_space<vmem>>, vector<16xf32>,
    %swap3A_213 = vector.shape_cast %swap3A_212 : vector<16xf32> to vector<16xf32>
    %swap3A_214 = vector.shape_cast %broadcast_in_dim3A_210 : vector<16xf32> to vector<16xf32>
    tpu.vector_store %arg6[%swap3A_211], %swap3A_214 {strides = array<i32>} : memref<640xf32, #tpu.memory_space<vmem>>, vector<16xf32>,
    %broadcast_in_dim3A_215 = arith.constant 0.000000e+00 : f32
    %broadcast_in_dim3A_216 = vector.broadcast %broadcast_in_dim3A_215 : f32 to vector<16xf32>
    %swap3A_217 = arith.constant 448 : index
    %swap3A_218 = tpu.vector_load %arg6[%swap3A_217] {strides = array<i32>} : memref<640xf32, #tpu.memory_space<vmem>>, vector<16xf32>,
    %swap3A_219 = vector.shape_cast %swap3A_218 : vector<16xf32> to vector<16xf32>
    %swap3A_220 = vector.shape_cast %broadcast_in_dim3A_216 : vector<16xf32> to vector<16xf32>
    tpu.vector_store %arg6[%swap3A_217], %swap3A_220 {strides = array<i32>} : memref<640xf32, #tpu.memory_space<vmem>>, vector<16xf32>,
    %broadcast_in_dim3A_221 = arith.constant 0.000000e+00 : f32
    %broadcast_in_dim3A_222 = vector.broadcast %broadcast_in_dim3A_221 : f32 to vector<16xf32>
    %swap3A_223 = arith.constant 464 : index
    %swap3A_224 = tpu.vector_load %arg6[%swap3A_223] {strides = array<i32>} : memref<640xf32, #tpu.memory_space<vmem>>, vector<16xf32>,
    %swap3A_225 = vector.shape_cast %swap3A_224 : vector<16xf32> to vector<16xf32>
    %swap3A_226 = vector.shape_cast %broadcast_in_dim3A_222 : vector<16xf32> to vector<16xf32>
    tpu.vector_store %arg6[%swap3A_223], %swap3A_226 {strides = array<i32>} : memref<640xf32, #tpu.memory_space<vmem>>, vector<16xf32>,
    %broadcast_in_dim3A_227 = arith.constant 0.000000e+00 : f32
    %broadcast_in_dim3A_228 = vector.broadcast %broadcast_in_dim3A_227 : f32 to vector<16xf32>
    %swap3A_229 = arith.constant 480 : index
    %swap3A_230 = tpu.vector_load %arg6[%swap3A_229] {strides = array<i32>} : memref<640xf32, #tpu.memory_space<vmem>>, vector<16xf32>,
    %swap3A_231 = vector.shape_cast %swap3A_230 : vector<16xf32> to vector<16xf32>
    %swap3A_232 = vector.shape_cast %broadcast_in_dim3A_228 : vector<16xf32> to vector<16xf32>
    tpu.vector_store %arg6[%swap3A_229], %swap3A_232 {strides = array<i32>} : memref<640xf32, #tpu.memory_space<vmem>>, vector<16xf32>,
    %broadcast_in_dim3A_233 = arith.constant 0.000000e+00 : f32
    %broadcast_in_dim3A_234 = vector.broadcast %broadcast_in_dim3A_233 : f32 to vector<16xf32>
    %swap3A_235 = arith.constant 496 : index
    %swap3A_236 = tpu.vector_load %arg6[%swap3A_235] {strides = array<i32>} : memref<640xf32, #tpu.memory_space<vmem>>, vector<16xf32>,
    %swap3A_237 = vector.shape_cast %swap3A_236 : vector<16xf32> to vector<16xf32>
    %swap3A_238 = vector.shape_cast %broadcast_in_dim3A_234 : vector<16xf32> to vector<16xf32>
    tpu.vector_store %arg6[%swap3A_235], %swap3A_238 {strides = array<i32>} : memref<640xf32, #tpu.memory_space<vmem>>, vector<16xf32>,
    %broadcast_in_dim3A_239 = arith.constant 0.000000e+00 : f32
    %broadcast_in_dim3A_240 = vector.broadcast %broadcast_in_dim3A_239 : f32 to vector<16xf32>
    %swap3A_241 = arith.constant 512 : index
    %swap3A_242 = tpu.vector_load %arg6[%swap3A_241] {strides = array<i32>} : memref<640xf32, #tpu.memory_space<vmem>>, vector<16xf32>,
    %swap3A_243 = vector.shape_cast %swap3A_242 : vector<16xf32> to vector<16xf32>
    %swap3A_244 = vector.shape_cast %broadcast_in_dim3A_240 : vector<16xf32> to vector<16xf32>
    tpu.vector_store %arg6[%swap3A_241], %swap3A_244 {strides = array<i32>} : memref<640xf32, #tpu.memory_space<vmem>>, vector<16xf32>,
    %broadcast_in_dim3A_245 = arith.constant 0.000000e+00 : f32
    %broadcast_in_dim3A_246 = vector.broadcast %broadcast_in_dim3A_245 : f32 to vector<16xf32>
    %swap3A_247 = arith.constant 528 : index
    %swap3A_248 = tpu.vector_load %arg6[%swap3A_247] {strides = array<i32>} : memref<640xf32, #tpu.memory_space<vmem>>, vector<16xf32>,
    %swap3A_249 = vector.shape_cast %swap3A_248 : vector<16xf32> to vector<16xf32>
    %swap3A_250 = vector.shape_cast %broadcast_in_dim3A_246 : vector<16xf32> to vector<16xf32>
    tpu.vector_store %arg6[%swap3A_247], %swap3A_250 {strides = array<i32>} : memref<640xf32, #tpu.memory_space<vmem>>, vector<16xf32>,
    %broadcast_in_dim3A_251 = arith.constant 0.000000e+00 : f32
    %broadcast_in_dim3A_252 = vector.broadcast %broadcast_in_dim3A_251 : f32 to vector<16xf32>
    %swap3A_253 = arith.constant 544 : index
    %swap3A_254 = tpu.vector_load %arg6[%swap3A_253] {strides = array<i32>} : memref<640xf32, #tpu.memory_space<vmem>>, vector<16xf32>,
    %swap3A_255 = vector.shape_cast %swap3A_254 : vector<16xf32> to vector<16xf32>
    %swap3A_256 = vector.shape_cast %broadcast_in_dim3A_252 : vector<16xf32> to vector<16xf32>
    tpu.vector_store %arg6[%swap3A_253], %swap3A_256 {strides = array<i32>} : memref<640xf32, #tpu.memory_space<vmem>>, vector<16xf32>,
    %broadcast_in_dim3A_257 = arith.constant 0.000000e+00 : f32
    %broadcast_in_dim3A_258 = vector.broadcast %broadcast_in_dim3A_257 : f32 to vector<16xf32>
    %swap3A_259 = arith.constant 560 : index
    %swap3A_260 = tpu.vector_load %arg6[%swap3A_259] {strides = array<i32>} : memref<640xf32, #tpu.memory_space<vmem>>, vector<16xf32>,
    %swap3A_261 = vector.shape_cast %swap3A_260 : vector<16xf32> to vector<16xf32>
    %swap3A_262 = vector.shape_cast %broadcast_in_dim3A_258 : vector<16xf32> to vector<16xf32>
    tpu.vector_store %arg6[%swap3A_259], %swap3A_262 {strides = array<i32>} : memref<640xf32, #tpu.memory_space<vmem>>, vector<16xf32>,
    %broadcast_in_dim3A_263 = arith.constant 0.000000e+00 : f32
    %broadcast_in_dim3A_264 = vector.broadcast %broadcast_in_dim3A_263 : f32 to vector<16xf32>
    %swap3A_265 = arith.constant 576 : index
    %swap3A_266 = tpu.vector_load %arg6[%swap3A_265] {strides = array<i32>} : memref<640xf32, #tpu.memory_space<vmem>>, vector<16xf32>,
    %swap3A_267 = vector.shape_cast %swap3A_266 : vector<16xf32> to vector<16xf32>
    %swap3A_268 = vector.shape_cast %broadcast_in_dim3A_264 : vector<16xf32> to vector<16xf32>
    tpu.vector_store %arg6[%swap3A_265], %swap3A_268 {strides = array<i32>} : memref<640xf32, #tpu.memory_space<vmem>>, vector<16xf32>,
    %broadcast_in_dim3A_269 = arith.constant 0.000000e+00 : f32
    %broadcast_in_dim3A_270 = vector.broadcast %broadcast_in_dim3A_269 : f32 to vector<16xf32>
    %swap3A_271 = arith.constant 592 : index
    %swap3A_272 = tpu.vector_load %arg6[%swap3A_271] {strides = array<i32>} : memref<640xf32, #tpu.memory_space<vmem>>, vector<16xf32>,
    %swap3A_273 = vector.shape_cast %swap3A_272 : vector<16xf32> to vector<16xf32>
    %swap3A_274 = vector.shape_cast %broadcast_in_dim3A_270 : vector<16xf32> to vector<16xf32>
    tpu.vector_store %arg6[%swap3A_271], %swap3A_274 {strides = array<i32>} : memref<640xf32, #tpu.memory_space<vmem>>, vector<16xf32>,
    %broadcast_in_dim3A_275 = arith.constant 0.000000e+00 : f32
    %broadcast_in_dim3A_276 = vector.broadcast %broadcast_in_dim3A_275 : f32 to vector<16xf32>
    %swap3A_277 = arith.constant 608 : index
    %swap3A_278 = tpu.vector_load %arg6[%swap3A_277] {strides = array<i32>} : memref<640xf32, #tpu.memory_space<vmem>>, vector<16xf32>,
    %swap3A_279 = vector.shape_cast %swap3A_278 : vector<16xf32> to vector<16xf32>
    %swap3A_280 = vector.shape_cast %broadcast_in_dim3A_276 : vector<16xf32> to vector<16xf32>
    tpu.vector_store %arg6[%swap3A_277], %swap3A_280 {strides = array<i32>} : memref<640xf32, #tpu.memory_space<vmem>>, vector<16xf32>,
    %broadcast_in_dim3A_281 = arith.constant 0.000000e+00 : f32
    %broadcast_in_dim3A_282 = vector.broadcast %broadcast_in_dim3A_281 : f32 to vector<16xf32>
    %swap3A_283 = arith.constant 624 : index
    %swap3A_284 = tpu.vector_load %arg6[%swap3A_283] {strides = array<i32>} : memref<640xf32, #tpu.memory_space<vmem>>, vector<16xf32>,
    %swap3A_285 = vector.shape_cast %swap3A_284 : vector<16xf32> to vector<16xf32>
    %swap3A_286 = vector.shape_cast %broadcast_in_dim3A_282 : vector<16xf32> to vector<16xf32>
    tpu.vector_store %arg6[%swap3A_283], %swap3A_286 {strides = array<i32>} : memref<640xf32, #tpu.memory_space<vmem>>, vector<16xf32>,
    %mul3A_287 = arith.constant 640 : i32
    %mul3A_288 = arith.muli %arg1, %mul3A_287 : i32
    "tpu.region"() ({
      %run_scoped3A = tpu.sem_alloc : memref<!tpu.dma_semaphore, #tpu.memory_space<semaphore_mem>>
      %dma_start3A = arith.constant 0 : i32
      %dma_start3A_297 = tpu.memref_slice %arg6[%dma_start3A] : memref<640xf32, #tpu.memory_space<vmem>> -> memref<640xf32, #tpu.memory_space<vmem>>
      %dma_start3A_298 = tpu.memref_slice %arg7[%mul3A_288] : memref<10240xf32, #tpu.memory_space<vmem_shared>> -> memref<640xf32, #tpu.memory_space<vmem_shared>>
      %dma_start3A_299 = tpu.memref_slice %arg7[%mul3A_288] : memref<10240xf32, #tpu.memory_space<vmem_shared>> -> memref<640xf32, #tpu.memory_space<vmem_shared>>
      %dma_start3A_300 = arith.constant 0 : i32
      %dma_start3A_301 = tpu.memref_slice %arg6[%dma_start3A_300] : memref<640xf32, #tpu.memory_space<vmem>> -> memref<640xf32, #tpu.memory_space<vmem>>
      tpu.enqueue_dma source(%dma_start3A_301 : memref<640xf32, #tpu.memory_space<vmem>>) target(%dma_start3A_299 : memref<640xf32, #tpu.memory_space<vmem_shared>>) target_semaphore(%run_scoped3A : memref<!tpu.dma_semaphore, #tpu.memory_space<semaphore_mem>>)
      %dma_wait3A = arith.constant 0 : i32
      %dma_wait3A_302 = tpu.memref_slice %arg6[%dma_wait3A] : memref<640xf32, #tpu.memory_space<vmem>> -> memref<640xf32, #tpu.memory_space<vmem>>
      %dma_wait3A_303 = tpu.memref_slice %arg7[%mul3A_288] : memref<10240xf32, #tpu.memory_space<vmem_shared>> -> memref<640xf32, #tpu.memory_space<vmem_shared>>
      %dma_wait3A_304 = tpu.memref_slice %arg7[%mul3A_288] : memref<10240xf32, #tpu.memory_space<vmem_shared>> -> memref<640xf32, #tpu.memory_space<vmem_shared>>
      %dma_wait3A_305 = arith.constant 0 : i32
      %dma_wait3A_306 = tpu.memref_slice %arg6[%dma_wait3A_305] : memref<640xf32, #tpu.memory_space<vmem>> -> memref<640xf32, #tpu.memory_space<vmem>>
      tpu.wait_dma2 semaphore(%run_scoped3A : memref<!tpu.dma_semaphore, #tpu.memory_space<semaphore_mem>>) src(%dma_wait3A_306 : memref<640xf32, #tpu.memory_space<vmem>>) dst(%dma_wait3A_304 : memref<640xf32, #tpu.memory_space<vmem_shared>>)
      tpu.yield
    }) : () -> ()
    %barrier3A = arith.constant 0 : index
    tpu.barrier barrier_id(%barrier3A)
    %scan3A = arith.constant 0 : i32
    %scan3A_289 = arith.constant 0 : i32
    %scan3A_290 = arith.constant 81 : i32
    %scan3A_291 = arith.addi %scan3A_289, %scan3A_290 : i32
    %scan3A_292 = arith.constant 1 : i32
    scf.for %scan3A_297 = %scan3A_289 to %scan3A_291 step %scan3A_292  : i32 {
      "tpu.region"() ({
        %run_scoped3A = tpu.sem_alloc : memref<!tpu.dma_semaphore, #tpu.memory_space<semaphore_mem>>
        %dma_start3A = arith.constant 0 : i32
        %dma_start3A_298 = tpu.memref_slice %arg4[%scan3A_297, %dma_start3A] : memref<81x128xi32, #tpu.memory_space<vmem>> -> memref<1x128xi32, #tpu.memory_space<vmem>>
        %dma_start3A_299 = tpu.memref_squeeze %dma_start3A_298 : memref<1x128xi32, #tpu.memory_space<vmem>> -> memref<128xi32, #tpu.memory_space<vmem>>
        %dma_start3A_300 = arith.constant 0 : i32
        %dma_start3A_301 = tpu.memref_slice %arg7[%dma_start3A_300] : memref<10240xf32, #tpu.memory_space<vmem_shared>> -> memref<10240xf32, #tpu.memory_space<vmem_shared>>
        tpu.enqueue_indirect_dma source(%arg5 : memref<128xf32, #tpu.memory_space<vmem>>) target(%dma_start3A_301 : memref<10240xf32, #tpu.memory_space<vmem_shared>>) offsets(%dma_start3A_299 : memref<128xi32, #tpu.memory_space<vmem>>) semaphore(%run_scoped3A : memref<!tpu.dma_semaphore, #tpu.memory_space<semaphore_mem>>) {add = true}
        %dma_wait3A = arith.constant 0 : i32
        %dma_wait3A_302 = tpu.memref_slice %arg4[%scan3A_297, %dma_wait3A] : memref<81x128xi32, #tpu.memory_space<vmem>> -> memref<1x128xi32, #tpu.memory_space<vmem>>
        %dma_wait3A_303 = tpu.memref_squeeze %dma_wait3A_302 : memref<1x128xi32, #tpu.memory_space<vmem>> -> memref<128xi32, #tpu.memory_space<vmem>>
        %dma_wait3A_304 = arith.constant 0 : i32
        %dma_wait3A_305 = tpu.memref_slice %arg7[%dma_wait3A_304] : memref<10240xf32, #tpu.memory_space<vmem_shared>> -> memref<10240xf32, #tpu.memory_space<vmem_shared>>
        tpu.wait_indirect_dma semaphore(%run_scoped3A : memref<!tpu.dma_semaphore, #tpu.memory_space<semaphore_mem>>) src(%arg5 : memref<128xf32, #tpu.memory_space<vmem>>) dst(%dma_wait3A_305 : memref<10240xf32, #tpu.memory_space<vmem_shared>>)
        tpu.yield
      }) : () -> ()
    }
    %scan3A_293 = arith.constant 81 : i32
    %barrier3A_294 = arith.constant 0 : index
    tpu.barrier barrier_id(%barrier3A_294)
    %mul3A_295 = arith.constant 640 : i32
    %mul3A_296 = arith.muli %arg1, %mul3A_295 : i32
    "tpu.region"() ({
      %run_scoped3A = tpu.sem_alloc : memref<!tpu.dma_semaphore, #tpu.memory_space<semaphore_mem>>
      %dma_start3A = arith.constant 0 : i32
      %dma_start3A_297 = tpu.memref_slice %arg3[%arg0, %arg1, %dma_start3A] : memref<2x16x640xf32, #tpu.memory_space<hbm>> -> memref<1x1x640xf32, #tpu.memory_space<hbm>>
      %dma_start3A_298 = tpu.memref_squeeze %dma_start3A_297 : memref<1x1x640xf32, #tpu.memory_space<hbm>> -> memref<640xf32, #tpu.memory_space<hbm>>
      %dma_start3A_299 = tpu.memref_slice %arg7[%mul3A_296] : memref<10240xf32, #tpu.memory_space<vmem_shared>> -> memref<640xf32, #tpu.memory_space<vmem_shared>>
      tpu.enqueue_dma source(%dma_start3A_299 : memref<640xf32, #tpu.memory_space<vmem_shared>>) target(%dma_start3A_298 : memref<640xf32, #tpu.memory_space<hbm>>) target_semaphore(%run_scoped3A : memref<!tpu.dma_semaphore, #tpu.memory_space<semaphore_mem>>)
      %dma_wait3A = arith.constant 0 : i32
      %dma_wait3A_300 = tpu.memref_slice %arg3[%arg0, %arg1, %dma_wait3A] : memref<2x16x640xf32, #tpu.memory_space<hbm>> -> memref<1x1x640xf32, #tpu.memory_space<hbm>>
      %dma_wait3A_301 = tpu.memref_squeeze %dma_wait3A_300 : memref<1x1x640xf32, #tpu.memory_space<hbm>> -> memref<640xf32, #tpu.memory_space<hbm>>
      %dma_wait3A_302 = tpu.memref_slice %arg7[%mul3A_296] : memref<10240xf32, #tpu.memory_space<vmem_shared>> -> memref<640xf32, #tpu.memory_space<vmem_shared>>
      tpu.wait_dma2 semaphore(%run_scoped3A : memref<!tpu.dma_semaphore, #tpu.memory_space<semaphore_mem>>) src(%dma_wait3A_302 : memref<640xf32, #tpu.memory_space<vmem_shared>>) dst(%dma_wait3A_301 : memref<640xf32, #tpu.memory_space<hbm>>)
      tpu.yield
    }) : () -> ()
    return
  }
}

#map = affine_map<(d0, d1) -> (0, 0)>
#map1 = affine_map<(d0, d1) -> (0, 0, 0)>
module attributes {stable_mosaic.version = 14 : i64} {
  func.func @agg_kernel(%arg0: i32, %arg1: i32, %arg2: memref<10112x128xf32, #tpu.memory_space<hbm>>, %arg3: memref<32x81x128xi32, #tpu.memory_space<hbm>>, %arg4: memref<32x81x128xi32, #tpu.memory_space<hbm>>, %arg5: memref<32x632x128xf32, #tpu.memory_space<hbm>>, %arg6: memref<128x128xf32, #tpu.memory_space<vmem>>, %arg7: memref<128x128xf32, #tpu.memory_space<vmem>>, %arg8: memref<128x128xf32, #tpu.memory_space<vmem>>, %arg9: memref<128xi32, #tpu.memory_space<vmem>>, %arg10: memref<128xi32, #tpu.memory_space<vmem>>, %arg11: memref<128xi32, #tpu.memory_space<vmem>>, %arg12: memref<128xi32, #tpu.memory_space<vmem>>, %arg13: memref<128xi32, #tpu.memory_space<vmem>>, %arg14: memref<128xi32, #tpu.memory_space<vmem>>, %arg15: memref<10112x128xf32, #tpu.memory_space<vmem_shared>>, %arg16: memref<!tpu.dma_semaphore, #tpu.memory_space<semaphore_mem>>, %arg17: memref<!tpu.dma_semaphore, #tpu.memory_space<semaphore_mem>>, %arg18: memref<!tpu.dma_semaphore, #tpu.memory_space<semaphore_mem>>, %arg19: memref<!tpu.dma_semaphore, #tpu.memory_space<semaphore_mem>>, %arg20: memref<!tpu.dma_semaphore, #tpu.memory_space<semaphore_mem>>, %arg21: memref<!tpu.dma_semaphore, #tpu.memory_space<semaphore_mem>>, %arg22: memref<!tpu.dma_semaphore, #tpu.memory_space<semaphore_mem>>, %arg23: memref<!tpu.dma_semaphore, #tpu.memory_space<semaphore_mem>>, %arg24: memref<!tpu.dma_semaphore, #tpu.memory_space<semaphore_mem>>, %arg25: memref<!tpu.dma_semaphore, #tpu.memory_space<semaphore_mem>>, %arg26: memref<!tpu.dma_semaphore, #tpu.memory_space<semaphore_mem>>, %arg27: memref<!tpu.dma_semaphore, #tpu.memory_space<semaphore_mem>>) attributes {dimension_semantics = [#tpu.dimension_semantics<core_parallel>, #tpu.dimension_semantics<subcore_parallel>], iteration_bounds = array<i64: 2, 16>, scalar_prefetch = 0 : i64, scratch_operands = 22 : i64, tpu.core_type = #tpu.core_type<sc_vector_subcore>, window_params = [{transform_indices = #map}, {transform_indices = #map1}, {transform_indices = #map1}, {transform_indices = #map1}]} {
    %mul3A = arith.constant 16 : i32
    %mul3A_0 = arith.muli %arg0, %mul3A : i32
    %add3A = arith.addi %mul3A_0, %arg1 : i32
    %broadcast_in_dim3A = arith.constant 0.000000e+00 : f32
    %broadcast_in_dim3A_1 = vector.broadcast %broadcast_in_dim3A : f32 to vector<16xf32>
    %scan3A = arith.constant 0 : i32
    %scan3A_2 = arith.constant 0 : i32
    %scan3A_3 = arith.constant 128 : i32
    %scan3A_4 = arith.addi %scan3A_2, %scan3A_3 : i32
    %scan3A_5 = arith.constant 1 : i32
    scf.for %scan3A_154 = %scan3A_2 to %scan3A_4 step %scan3A_5  : i32 {
      %swap3A = arith.index_cast %scan3A_154 : i32 to index
      %swap3A_155 = arith.constant 0 : index
      %swap3A_156 = tpu.vector_load %arg6[%swap3A, %swap3A_155] {strides = array<i32>} : memref<128x128xf32, #tpu.memory_space<vmem>>, vector<1x16xf32>,
      %swap3A_157 = vector.shape_cast %swap3A_156 : vector<1x16xf32> to vector<16xf32>
      %swap3A_158 = vector.shape_cast %broadcast_in_dim3A_1 : vector<16xf32> to vector<1x16xf32>
      tpu.vector_store %arg6[%swap3A, %swap3A_155], %swap3A_158 {strides = array<i32>} : memref<128x128xf32, #tpu.memory_space<vmem>>, vector<1x16xf32>,
      %swap3A_159 = arith.index_cast %scan3A_154 : i32 to index
      %swap3A_160 = arith.constant 16 : index
      %swap3A_161 = tpu.vector_load %arg6[%swap3A_159, %swap3A_160] {strides = array<i32>} : memref<128x128xf32, #tpu.memory_space<vmem>>, vector<1x16xf32>,
      %swap3A_162 = vector.shape_cast %swap3A_161 : vector<1x16xf32> to vector<16xf32>
      %swap3A_163 = vector.shape_cast %broadcast_in_dim3A_1 : vector<16xf32> to vector<1x16xf32>
      tpu.vector_store %arg6[%swap3A_159, %swap3A_160], %swap3A_163 {strides = array<i32>} : memref<128x128xf32, #tpu.memory_space<vmem>>, vector<1x16xf32>,
      %swap3A_164 = arith.index_cast %scan3A_154 : i32 to index
      %swap3A_165 = arith.constant 32 : index
      %swap3A_166 = tpu.vector_load %arg6[%swap3A_164, %swap3A_165] {strides = array<i32>} : memref<128x128xf32, #tpu.memory_space<vmem>>, vector<1x16xf32>,
      %swap3A_167 = vector.shape_cast %swap3A_166 : vector<1x16xf32> to vector<16xf32>
      %swap3A_168 = vector.shape_cast %broadcast_in_dim3A_1 : vector<16xf32> to vector<1x16xf32>
      tpu.vector_store %arg6[%swap3A_164, %swap3A_165], %swap3A_168 {strides = array<i32>} : memref<128x128xf32, #tpu.memory_space<vmem>>, vector<1x16xf32>,
      %swap3A_169 = arith.index_cast %scan3A_154 : i32 to index
      %swap3A_170 = arith.constant 48 : index
      %swap3A_171 = tpu.vector_load %arg6[%swap3A_169, %swap3A_170] {strides = array<i32>} : memref<128x128xf32, #tpu.memory_space<vmem>>, vector<1x16xf32>,
      %swap3A_172 = vector.shape_cast %swap3A_171 : vector<1x16xf32> to vector<16xf32>
      %swap3A_173 = vector.shape_cast %broadcast_in_dim3A_1 : vector<16xf32> to vector<1x16xf32>
      tpu.vector_store %arg6[%swap3A_169, %swap3A_170], %swap3A_173 {strides = array<i32>} : memref<128x128xf32, #tpu.memory_space<vmem>>, vector<1x16xf32>,
      %swap3A_174 = arith.index_cast %scan3A_154 : i32 to index
      %swap3A_175 = arith.constant 64 : index
      %swap3A_176 = tpu.vector_load %arg6[%swap3A_174, %swap3A_175] {strides = array<i32>} : memref<128x128xf32, #tpu.memory_space<vmem>>, vector<1x16xf32>,
      %swap3A_177 = vector.shape_cast %swap3A_176 : vector<1x16xf32> to vector<16xf32>
      %swap3A_178 = vector.shape_cast %broadcast_in_dim3A_1 : vector<16xf32> to vector<1x16xf32>
      tpu.vector_store %arg6[%swap3A_174, %swap3A_175], %swap3A_178 {strides = array<i32>} : memref<128x128xf32, #tpu.memory_space<vmem>>, vector<1x16xf32>,
      %swap3A_179 = arith.index_cast %scan3A_154 : i32 to index
      %swap3A_180 = arith.constant 80 : index
      %swap3A_181 = tpu.vector_load %arg6[%swap3A_179, %swap3A_180] {strides = array<i32>} : memref<128x128xf32, #tpu.memory_space<vmem>>, vector<1x16xf32>,
      %swap3A_182 = vector.shape_cast %swap3A_181 : vector<1x16xf32> to vector<16xf32>
      %swap3A_183 = vector.shape_cast %broadcast_in_dim3A_1 : vector<16xf32> to vector<1x16xf32>
      tpu.vector_store %arg6[%swap3A_179, %swap3A_180], %swap3A_183 {strides = array<i32>} : memref<128x128xf32, #tpu.memory_space<vmem>>, vector<1x16xf32>,
      %swap3A_184 = arith.index_cast %scan3A_154 : i32 to index
      %swap3A_185 = arith.constant 96 : index
      %swap3A_186 = tpu.vector_load %arg6[%swap3A_184, %swap3A_185] {strides = array<i32>} : memref<128x128xf32, #tpu.memory_space<vmem>>, vector<1x16xf32>,
      %swap3A_187 = vector.shape_cast %swap3A_186 : vector<1x16xf32> to vector<16xf32>
      %swap3A_188 = vector.shape_cast %broadcast_in_dim3A_1 : vector<16xf32> to vector<1x16xf32>
      tpu.vector_store %arg6[%swap3A_184, %swap3A_185], %swap3A_188 {strides = array<i32>} : memref<128x128xf32, #tpu.memory_space<vmem>>, vector<1x16xf32>,
      %swap3A_189 = arith.index_cast %scan3A_154 : i32 to index
      %swap3A_190 = arith.constant 112 : index
      %swap3A_191 = tpu.vector_load %arg6[%swap3A_189, %swap3A_190] {strides = array<i32>} : memref<128x128xf32, #tpu.memory_space<vmem>>, vector<1x16xf32>,
      %swap3A_192 = vector.shape_cast %swap3A_191 : vector<1x16xf32> to vector<16xf32>
      %swap3A_193 = vector.shape_cast %broadcast_in_dim3A_1 : vector<16xf32> to vector<1x16xf32>
      tpu.vector_store %arg6[%swap3A_189, %swap3A_190], %swap3A_193 {strides = array<i32>} : memref<128x128xf32, #tpu.memory_space<vmem>>, vector<1x16xf32>,
    }
    %scan3A_6 = arith.constant 128 : i32
    %mul3A_7 = arith.constant 632 : i32
    %mul3A_8 = arith.muli %arg1, %mul3A_7 : i32
    %add3A_9 = arith.constant 0 : i32
    %add3A_10 = arith.addi %mul3A_8, %add3A_9 : i32
    "tpu.region"() ({
      %run_scoped3A = tpu.sem_alloc : memref<!tpu.dma_semaphore, #tpu.memory_space<semaphore_mem>>
      %dma_start3A_154 = arith.constant 0 : i32
      %dma_start3A_155 = tpu.memref_slice %arg15[%add3A_10, %dma_start3A_154] : memref<10112x128xf32, #tpu.memory_space<vmem_shared>> -> memref<128x128xf32, #tpu.memory_space<vmem_shared>>
      %dma_start3A_156 = arith.constant 0 : i32
      %dma_start3A_157 = tpu.memref_slice %arg15[%add3A_10, %dma_start3A_156] : memref<10112x128xf32, #tpu.memory_space<vmem_shared>> -> memref<128x128xf32, #tpu.memory_space<vmem_shared>>
      tpu.enqueue_dma source(%arg6 : memref<128x128xf32, #tpu.memory_space<vmem>>) target(%dma_start3A_157 : memref<128x128xf32, #tpu.memory_space<vmem_shared>>) target_semaphore(%run_scoped3A : memref<!tpu.dma_semaphore, #tpu.memory_space<semaphore_mem>>)
      %dma_wait3A_158 = arith.constant 0 : i32
      %dma_wait3A_159 = tpu.memref_slice %arg15[%add3A_10, %dma_wait3A_158] : memref<10112x128xf32, #tpu.memory_space<vmem_shared>> -> memref<128x128xf32, #tpu.memory_space<vmem_shared>>
      %dma_wait3A_160 = arith.constant 0 : i32
      %dma_wait3A_161 = tpu.memref_slice %arg15[%add3A_10, %dma_wait3A_160] : memref<10112x128xf32, #tpu.memory_space<vmem_shared>> -> memref<128x128xf32, #tpu.memory_space<vmem_shared>>
      tpu.wait_dma2 semaphore(%run_scoped3A : memref<!tpu.dma_semaphore, #tpu.memory_space<semaphore_mem>>) src(%arg6 : memref<128x128xf32, #tpu.memory_space<vmem>>) dst(%dma_wait3A_161 : memref<128x128xf32, #tpu.memory_space<vmem_shared>>)
      tpu.yield
    }) : () -> ()
    %mul3A_11 = arith.constant 632 : i32
    %mul3A_12 = arith.muli %arg1, %mul3A_11 : i32
    %add3A_13 = arith.constant 128 : i32
    %add3A_14 = arith.addi %mul3A_12, %add3A_13 : i32
    "tpu.region"() ({
      %run_scoped3A = tpu.sem_alloc : memref<!tpu.dma_semaphore, #tpu.memory_space<semaphore_mem>>
      %dma_start3A_154 = arith.constant 0 : i32
      %dma_start3A_155 = tpu.memref_slice %arg15[%add3A_14, %dma_start3A_154] : memref<10112x128xf32, #tpu.memory_space<vmem_shared>> -> memref<128x128xf32, #tpu.memory_space<vmem_shared>>
      %dma_start3A_156 = arith.constant 0 : i32
      %dma_start3A_157 = tpu.memref_slice %arg15[%add3A_14, %dma_start3A_156] : memref<10112x128xf32, #tpu.memory_space<vmem_shared>> -> memref<128x128xf32, #tpu.memory_space<vmem_shared>>
      tpu.enqueue_dma source(%arg6 : memref<128x128xf32, #tpu.memory_space<vmem>>) target(%dma_start3A_157 : memref<128x128xf32, #tpu.memory_space<vmem_shared>>) target_semaphore(%run_scoped3A : memref<!tpu.dma_semaphore, #tpu.memory_space<semaphore_mem>>)
      %dma_wait3A_158 = arith.constant 0 : i32
      %dma_wait3A_159 = tpu.memref_slice %arg15[%add3A_14, %dma_wait3A_158] : memref<10112x128xf32, #tpu.memory_space<vmem_shared>> -> memref<128x128xf32, #tpu.memory_space<vmem_shared>>
      %dma_wait3A_160 = arith.constant 0 : i32
      %dma_wait3A_161 = tpu.memref_slice %arg15[%add3A_14, %dma_wait3A_160] : memref<10112x128xf32, #tpu.memory_space<vmem_shared>> -> memref<128x128xf32, #tpu.memory_space<vmem_shared>>
      tpu.wait_dma2 semaphore(%run_scoped3A : memref<!tpu.dma_semaphore, #tpu.memory_space<semaphore_mem>>) src(%arg6 : memref<128x128xf32, #tpu.memory_space<vmem>>) dst(%dma_wait3A_161 : memref<128x128xf32, #tpu.memory_space<vmem_shared>>)
      tpu.yield
    }) : () -> ()
    %mul3A_15 = arith.constant 632 : i32
    %mul3A_16 = arith.muli %arg1, %mul3A_15 : i32
    %add3A_17 = arith.constant 256 : i32
    %add3A_18 = arith.addi %mul3A_16, %add3A_17 : i32
    "tpu.region"() ({
      %run_scoped3A = tpu.sem_alloc : memref<!tpu.dma_semaphore, #tpu.memory_space<semaphore_mem>>
      %dma_start3A_154 = arith.constant 0 : i32
      %dma_start3A_155 = tpu.memref_slice %arg15[%add3A_18, %dma_start3A_154] : memref<10112x128xf32, #tpu.memory_space<vmem_shared>> -> memref<128x128xf32, #tpu.memory_space<vmem_shared>>
      %dma_start3A_156 = arith.constant 0 : i32
      %dma_start3A_157 = tpu.memref_slice %arg15[%add3A_18, %dma_start3A_156] : memref<10112x128xf32, #tpu.memory_space<vmem_shared>> -> memref<128x128xf32, #tpu.memory_space<vmem_shared>>
      tpu.enqueue_dma source(%arg6 : memref<128x128xf32, #tpu.memory_space<vmem>>) target(%dma_start3A_157 : memref<128x128xf32, #tpu.memory_space<vmem_shared>>) target_semaphore(%run_scoped3A : memref<!tpu.dma_semaphore, #tpu.memory_space<semaphore_mem>>)
      %dma_wait3A_158 = arith.constant 0 : i32
      %dma_wait3A_159 = tpu.memref_slice %arg15[%add3A_18, %dma_wait3A_158] : memref<10112x128xf32, #tpu.memory_space<vmem_shared>> -> memref<128x128xf32, #tpu.memory_space<vmem_shared>>
      %dma_wait3A_160 = arith.constant 0 : i32
      %dma_wait3A_161 = tpu.memref_slice %arg15[%add3A_18, %dma_wait3A_160] : memref<10112x128xf32, #tpu.memory_space<vmem_shared>> -> memref<128x128xf32, #tpu.memory_space<vmem_shared>>
      tpu.wait_dma2 semaphore(%run_scoped3A : memref<!tpu.dma_semaphore, #tpu.memory_space<semaphore_mem>>) src(%arg6 : memref<128x128xf32, #tpu.memory_space<vmem>>) dst(%dma_wait3A_161 : memref<128x128xf32, #tpu.memory_space<vmem_shared>>)
      tpu.yield
    }) : () -> ()
    %mul3A_19 = arith.constant 632 : i32
    %mul3A_20 = arith.muli %arg1, %mul3A_19 : i32
    %add3A_21 = arith.constant 384 : i32
    %add3A_22 = arith.addi %mul3A_20, %add3A_21 : i32
    "tpu.region"() ({
      %run_scoped3A = tpu.sem_alloc : memref<!tpu.dma_semaphore, #tpu.memory_space<semaphore_mem>>
      %dma_start3A_154 = arith.constant 0 : i32
      %dma_start3A_155 = tpu.memref_slice %arg15[%add3A_22, %dma_start3A_154] : memref<10112x128xf32, #tpu.memory_space<vmem_shared>> -> memref<128x128xf32, #tpu.memory_space<vmem_shared>>
      %dma_start3A_156 = arith.constant 0 : i32
      %dma_start3A_157 = tpu.memref_slice %arg15[%add3A_22, %dma_start3A_156] : memref<10112x128xf32, #tpu.memory_space<vmem_shared>> -> memref<128x128xf32, #tpu.memory_space<vmem_shared>>
      tpu.enqueue_dma source(%arg6 : memref<128x128xf32, #tpu.memory_space<vmem>>) target(%dma_start3A_157 : memref<128x128xf32, #tpu.memory_space<vmem_shared>>) target_semaphore(%run_scoped3A : memref<!tpu.dma_semaphore, #tpu.memory_space<semaphore_mem>>)
      %dma_wait3A_158 = arith.constant 0 : i32
      %dma_wait3A_159 = tpu.memref_slice %arg15[%add3A_22, %dma_wait3A_158] : memref<10112x128xf32, #tpu.memory_space<vmem_shared>> -> memref<128x128xf32, #tpu.memory_space<vmem_shared>>
      %dma_wait3A_160 = arith.constant 0 : i32
      %dma_wait3A_161 = tpu.memref_slice %arg15[%add3A_22, %dma_wait3A_160] : memref<10112x128xf32, #tpu.memory_space<vmem_shared>> -> memref<128x128xf32, #tpu.memory_space<vmem_shared>>
      tpu.wait_dma2 semaphore(%run_scoped3A : memref<!tpu.dma_semaphore, #tpu.memory_space<semaphore_mem>>) src(%arg6 : memref<128x128xf32, #tpu.memory_space<vmem>>) dst(%dma_wait3A_161 : memref<128x128xf32, #tpu.memory_space<vmem_shared>>)
      tpu.yield
    }) : () -> ()
    %mul3A_23 = arith.constant 632 : i32
    %mul3A_24 = arith.muli %arg1, %mul3A_23 : i32
    %add3A_25 = arith.constant 512 : i32
    %add3A_26 = arith.addi %mul3A_24, %add3A_25 : i32
    "tpu.region"() ({
      %run_scoped3A = tpu.sem_alloc : memref<!tpu.dma_semaphore, #tpu.memory_space<semaphore_mem>>
      %dma_start3A_154 = arith.constant 0 : i32
      %dma_start3A_155 = arith.constant 0 : i32
      %dma_start3A_156 = tpu.memref_slice %arg6[%dma_start3A_154, %dma_start3A_155] : memref<128x128xf32, #tpu.memory_space<vmem>> -> memref<120x128xf32, #tpu.memory_space<vmem>>
      %dma_start3A_157 = arith.constant 0 : i32
      %dma_start3A_158 = tpu.memref_slice %arg15[%add3A_26, %dma_start3A_157] : memref<10112x128xf32, #tpu.memory_space<vmem_shared>> -> memref<120x128xf32, #tpu.memory_space<vmem_shared>>
      %dma_start3A_159 = arith.constant 0 : i32
      %dma_start3A_160 = tpu.memref_slice %arg15[%add3A_26, %dma_start3A_159] : memref<10112x128xf32, #tpu.memory_space<vmem_shared>> -> memref<120x128xf32, #tpu.memory_space<vmem_shared>>
      %dma_start3A_161 = arith.constant 0 : i32
      %dma_start3A_162 = arith.constant 0 : i32
      %dma_start3A_163 = tpu.memref_slice %arg6[%dma_start3A_161, %dma_start3A_162] : memref<128x128xf32, #tpu.memory_space<vmem>> -> memref<120x128xf32, #tpu.memory_space<vmem>>
      tpu.enqueue_dma source(%dma_start3A_163 : memref<120x128xf32, #tpu.memory_space<vmem>>) target(%dma_start3A_160 : memref<120x128xf32, #tpu.memory_space<vmem_shared>>) target_semaphore(%run_scoped3A : memref<!tpu.dma_semaphore, #tpu.memory_space<semaphore_mem>>)
      %dma_wait3A_164 = arith.constant 0 : i32
      %dma_wait3A_165 = arith.constant 0 : i32
      %dma_wait3A_166 = tpu.memref_slice %arg6[%dma_wait3A_164, %dma_wait3A_165] : memref<128x128xf32, #tpu.memory_space<vmem>> -> memref<120x128xf32, #tpu.memory_space<vmem>>
      %dma_wait3A_167 = arith.constant 0 : i32
      %dma_wait3A_168 = tpu.memref_slice %arg15[%add3A_26, %dma_wait3A_167] : memref<10112x128xf32, #tpu.memory_space<vmem_shared>> -> memref<120x128xf32, #tpu.memory_space<vmem_shared>>
      %dma_wait3A_169 = arith.constant 0 : i32
      %dma_wait3A_170 = tpu.memref_slice %arg15[%add3A_26, %dma_wait3A_169] : memref<10112x128xf32, #tpu.memory_space<vmem_shared>> -> memref<120x128xf32, #tpu.memory_space<vmem_shared>>
      %dma_wait3A_171 = arith.constant 0 : i32
      %dma_wait3A_172 = arith.constant 0 : i32
      %dma_wait3A_173 = tpu.memref_slice %arg6[%dma_wait3A_171, %dma_wait3A_172] : memref<128x128xf32, #tpu.memory_space<vmem>> -> memref<120x128xf32, #tpu.memory_space<vmem>>
      tpu.wait_dma2 semaphore(%run_scoped3A : memref<!tpu.dma_semaphore, #tpu.memory_space<semaphore_mem>>) src(%dma_wait3A_173 : memref<120x128xf32, #tpu.memory_space<vmem>>) dst(%dma_wait3A_170 : memref<120x128xf32, #tpu.memory_space<vmem_shared>>)
      tpu.yield
    }) : () -> ()
    %barrier3A = arith.constant 0 : index
    tpu.barrier barrier_id(%barrier3A)
    %dma_start3A = arith.constant 0 : i32
    %dma_start3A_27 = arith.constant 0 : i32
    %dma_start3A_28 = tpu.memref_slice %arg3[%add3A, %dma_start3A, %dma_start3A_27] : memref<32x81x128xi32, #tpu.memory_space<hbm>> -> memref<1x1x128xi32, #tpu.memory_space<hbm>>
    %dma_start3A_29 = tpu.memref_squeeze %dma_start3A_28 : memref<1x1x128xi32, #tpu.memory_space<hbm>> -> memref<128xi32, #tpu.memory_space<hbm>>
    %dma_start3A_30 = arith.constant 0 : i32
    %dma_start3A_31 = tpu.memref_slice %arg3[%add3A, %dma_start3A, %dma_start3A_30] : memref<32x81x128xi32, #tpu.memory_space<hbm>> -> memref<1x1x128xi32, #tpu.memory_space<hbm>>
    %dma_start3A_32 = tpu.memref_squeeze %dma_start3A_31 : memref<1x1x128xi32, #tpu.memory_space<hbm>> -> memref<128xi32, #tpu.memory_space<hbm>>
    tpu.enqueue_dma source(%dma_start3A_32 : memref<128xi32, #tpu.memory_space<hbm>>) target(%arg9 : memref<128xi32, #tpu.memory_space<vmem>>) target_semaphore(%arg22 : memref<!tpu.dma_semaphore, #tpu.memory_space<semaphore_mem>>)
    %dma_start3A_33 = arith.constant 0 : i32
    %dma_start3A_34 = arith.constant 0 : i32
    %dma_start3A_35 = tpu.memref_slice %arg4[%add3A, %dma_start3A_33, %dma_start3A_34] : memref<32x81x128xi32, #tpu.memory_space<hbm>> -> memref<1x1x128xi32, #tpu.memory_space<hbm>>
    %dma_start3A_36 = tpu.memref_squeeze %dma_start3A_35 : memref<1x1x128xi32, #tpu.memory_space<hbm>> -> memref<128xi32, #tpu.memory_space<hbm>>
    %dma_start3A_37 = arith.constant 0 : i32
    %dma_start3A_38 = tpu.memref_slice %arg4[%add3A, %dma_start3A_33, %dma_start3A_37] : memref<32x81x128xi32, #tpu.memory_space<hbm>> -> memref<1x1x128xi32, #tpu.memory_space<hbm>>
    %dma_start3A_39 = tpu.memref_squeeze %dma_start3A_38 : memref<1x1x128xi32, #tpu.memory_space<hbm>> -> memref<128xi32, #tpu.memory_space<hbm>>
    tpu.enqueue_dma source(%dma_start3A_39 : memref<128xi32, #tpu.memory_space<hbm>>) target(%arg12 : memref<128xi32, #tpu.memory_space<vmem>>) target_semaphore(%arg25 : memref<!tpu.dma_semaphore, #tpu.memory_space<semaphore_mem>>)
    %dma_start3A_40 = arith.constant 1 : i32
    %dma_start3A_41 = arith.constant 0 : i32
    %dma_start3A_42 = tpu.memref_slice %arg3[%add3A, %dma_start3A_40, %dma_start3A_41] : memref<32x81x128xi32, #tpu.memory_space<hbm>> -> memref<1x1x128xi32, #tpu.memory_space<hbm>>
    %dma_start3A_43 = tpu.memref_squeeze %dma_start3A_42 : memref<1x1x128xi32, #tpu.memory_space<hbm>> -> memref<128xi32, #tpu.memory_space<hbm>>
    %dma_start3A_44 = arith.constant 0 : i32
    %dma_start3A_45 = tpu.memref_slice %arg3[%add3A, %dma_start3A_40, %dma_start3A_44] : memref<32x81x128xi32, #tpu.memory_space<hbm>> -> memref<1x1x128xi32, #tpu.memory_space<hbm>>
    %dma_start3A_46 = tpu.memref_squeeze %dma_start3A_45 : memref<1x1x128xi32, #tpu.memory_space<hbm>> -> memref<128xi32, #tpu.memory_space<hbm>>
    tpu.enqueue_dma source(%dma_start3A_46 : memref<128xi32, #tpu.memory_space<hbm>>) target(%arg10 : memref<128xi32, #tpu.memory_space<vmem>>) target_semaphore(%arg23 : memref<!tpu.dma_semaphore, #tpu.memory_space<semaphore_mem>>)
    %dma_start3A_47 = arith.constant 1 : i32
    %dma_start3A_48 = arith.constant 0 : i32
    %dma_start3A_49 = tpu.memref_slice %arg4[%add3A, %dma_start3A_47, %dma_start3A_48] : memref<32x81x128xi32, #tpu.memory_space<hbm>> -> memref<1x1x128xi32, #tpu.memory_space<hbm>>
    %dma_start3A_50 = tpu.memref_squeeze %dma_start3A_49 : memref<1x1x128xi32, #tpu.memory_space<hbm>> -> memref<128xi32, #tpu.memory_space<hbm>>
    %dma_start3A_51 = arith.constant 0 : i32
    %dma_start3A_52 = tpu.memref_slice %arg4[%add3A, %dma_start3A_47, %dma_start3A_51] : memref<32x81x128xi32, #tpu.memory_space<hbm>> -> memref<1x1x128xi32, #tpu.memory_space<hbm>>
    %dma_start3A_53 = tpu.memref_squeeze %dma_start3A_52 : memref<1x1x128xi32, #tpu.memory_space<hbm>> -> memref<128xi32, #tpu.memory_space<hbm>>
    tpu.enqueue_dma source(%dma_start3A_53 : memref<128xi32, #tpu.memory_space<hbm>>) target(%arg13 : memref<128xi32, #tpu.memory_space<vmem>>) target_semaphore(%arg26 : memref<!tpu.dma_semaphore, #tpu.memory_space<semaphore_mem>>)
    %dma_wait3A = arith.constant 0 : i32
    %dma_wait3A_54 = arith.constant 0 : i32
    %dma_wait3A_55 = tpu.memref_slice %arg3[%add3A, %dma_wait3A, %dma_wait3A_54] : memref<32x81x128xi32, #tpu.memory_space<hbm>> -> memref<1x1x128xi32, #tpu.memory_space<hbm>>
    %dma_wait3A_56 = tpu.memref_squeeze %dma_wait3A_55 : memref<1x1x128xi32, #tpu.memory_space<hbm>> -> memref<128xi32, #tpu.memory_space<hbm>>
    %dma_wait3A_57 = arith.constant 0 : i32
    %dma_wait3A_58 = tpu.memref_slice %arg3[%add3A, %dma_wait3A, %dma_wait3A_57] : memref<32x81x128xi32, #tpu.memory_space<hbm>> -> memref<1x1x128xi32, #tpu.memory_space<hbm>>
    %dma_wait3A_59 = tpu.memref_squeeze %dma_wait3A_58 : memref<1x1x128xi32, #tpu.memory_space<hbm>> -> memref<128xi32, #tpu.memory_space<hbm>>
    tpu.wait_dma2 semaphore(%arg22 : memref<!tpu.dma_semaphore, #tpu.memory_space<semaphore_mem>>) src(%dma_wait3A_59 : memref<128xi32, #tpu.memory_space<hbm>>) dst(%arg9 : memref<128xi32, #tpu.memory_space<vmem>>)
    %dma_wait3A_60 = arith.constant 0 : i32
    %dma_wait3A_61 = arith.constant 0 : i32
    %dma_wait3A_62 = tpu.memref_slice %arg4[%add3A, %dma_wait3A_60, %dma_wait3A_61] : memref<32x81x128xi32, #tpu.memory_space<hbm>> -> memref<1x1x128xi32, #tpu.memory_space<hbm>>
    %dma_wait3A_63 = tpu.memref_squeeze %dma_wait3A_62 : memref<1x1x128xi32, #tpu.memory_space<hbm>> -> memref<128xi32, #tpu.memory_space<hbm>>
    %dma_wait3A_64 = arith.constant 0 : i32
    %dma_wait3A_65 = tpu.memref_slice %arg4[%add3A, %dma_wait3A_60, %dma_wait3A_64] : memref<32x81x128xi32, #tpu.memory_space<hbm>> -> memref<1x1x128xi32, #tpu.memory_space<hbm>>
    %dma_wait3A_66 = tpu.memref_squeeze %dma_wait3A_65 : memref<1x1x128xi32, #tpu.memory_space<hbm>> -> memref<128xi32, #tpu.memory_space<hbm>>
    tpu.wait_dma2 semaphore(%arg25 : memref<!tpu.dma_semaphore, #tpu.memory_space<semaphore_mem>>) src(%dma_wait3A_66 : memref<128xi32, #tpu.memory_space<hbm>>) dst(%arg12 : memref<128xi32, #tpu.memory_space<vmem>>)
    %dma_start3A_67 = arith.constant 0 : i32
    %dma_start3A_68 = arith.constant 0 : i32
    %dma_start3A_69 = tpu.memref_slice %arg2[%dma_start3A_67, %dma_start3A_68] : memref<10112x128xf32, #tpu.memory_space<hbm>> -> memref<10112x128xf32, #tpu.memory_space<hbm>>
    tpu.enqueue_indirect_dma source(%dma_start3A_69 : memref<10112x128xf32, #tpu.memory_space<hbm>>) target(%arg6 : memref<128x128xf32, #tpu.memory_space<vmem>>) offsets(%arg9 : memref<128xi32, #tpu.memory_space<vmem>>) semaphore(%arg16 : memref<!tpu.dma_semaphore, #tpu.memory_space<semaphore_mem>>)
    %dma_wait3A_70 = arith.constant 0 : i32
    %dma_wait3A_71 = arith.constant 0 : i32
    %dma_wait3A_72 = tpu.memref_slice %arg3[%add3A, %dma_wait3A_70, %dma_wait3A_71] : memref<32x81x128xi32, #tpu.memory_space<hbm>> -> memref<1x1x128xi32, #tpu.memory_space<hbm>>
    %dma_wait3A_73 = tpu.memref_squeeze %dma_wait3A_72 : memref<1x1x128xi32, #tpu.memory_space<hbm>> -> memref<128xi32, #tpu.memory_space<hbm>>
    %dma_wait3A_74 = arith.constant 0 : i32
    %dma_wait3A_75 = tpu.memref_slice %arg3[%add3A, %dma_wait3A_70, %dma_wait3A_74] : memref<32x81x128xi32, #tpu.memory_space<hbm>> -> memref<1x1x128xi32, #tpu.memory_space<hbm>>
    %dma_wait3A_76 = tpu.memref_squeeze %dma_wait3A_75 : memref<1x1x128xi32, #tpu.memory_space<hbm>> -> memref<128xi32, #tpu.memory_space<hbm>>
    tpu.wait_dma2 semaphore(%arg23 : memref<!tpu.dma_semaphore, #tpu.memory_space<semaphore_mem>>) src(%dma_wait3A_76 : memref<128xi32, #tpu.memory_space<hbm>>) dst(%arg10 : memref<128xi32, #tpu.memory_space<vmem>>)
    %dma_wait3A_77 = arith.constant 0 : i32
    %dma_wait3A_78 = arith.constant 0 : i32
    %dma_wait3A_79 = tpu.memref_slice %arg4[%add3A, %dma_wait3A_77, %dma_wait3A_78] : memref<32x81x128xi32, #tpu.memory_space<hbm>> -> memref<1x1x128xi32, #tpu.memory_space<hbm>>
    %dma_wait3A_80 = tpu.memref_squeeze %dma_wait3A_79 : memref<1x1x128xi32, #tpu.memory_space<hbm>> -> memref<128xi32, #tpu.memory_space<hbm>>
    %dma_wait3A_81 = arith.constant 0 : i32
    %dma_wait3A_82 = tpu.memref_slice %arg4[%add3A, %dma_wait3A_77, %dma_wait3A_81] : memref<32x81x128xi32, #tpu.memory_space<hbm>> -> memref<1x1x128xi32, #tpu.memory_space<hbm>>
    %dma_wait3A_83 = tpu.memref_squeeze %dma_wait3A_82 : memref<1x1x128xi32, #tpu.memory_space<hbm>> -> memref<128xi32, #tpu.memory_space<hbm>>
    tpu.wait_dma2 semaphore(%arg26 : memref<!tpu.dma_semaphore, #tpu.memory_space<semaphore_mem>>) src(%dma_wait3A_83 : memref<128xi32, #tpu.memory_space<hbm>>) dst(%arg13 : memref<128xi32, #tpu.memory_space<vmem>>)
    %dma_start3A_84 = arith.constant 0 : i32
    %dma_start3A_85 = arith.constant 0 : i32
    %dma_start3A_86 = tpu.memref_slice %arg2[%dma_start3A_84, %dma_start3A_85] : memref<10112x128xf32, #tpu.memory_space<hbm>> -> memref<10112x128xf32, #tpu.memory_space<hbm>>
    tpu.enqueue_indirect_dma source(%dma_start3A_86 : memref<10112x128xf32, #tpu.memory_space<hbm>>) target(%arg7 : memref<128x128xf32, #tpu.memory_space<vmem>>) offsets(%arg10 : memref<128xi32, #tpu.memory_space<vmem>>) semaphore(%arg17 : memref<!tpu.dma_semaphore, #tpu.memory_space<semaphore_mem>>)
    %dma_wait3A_87 = arith.constant 0 : i32
    %dma_wait3A_88 = arith.constant 0 : i32
    %dma_wait3A_89 = tpu.memref_slice %arg2[%dma_wait3A_87, %dma_wait3A_88] : memref<10112x128xf32, #tpu.memory_space<hbm>> -> memref<10112x128xf32, #tpu.memory_space<hbm>>
    tpu.wait_indirect_dma semaphore(%arg16 : memref<!tpu.dma_semaphore, #tpu.memory_space<semaphore_mem>>) src(%dma_wait3A_89 : memref<10112x128xf32, #tpu.memory_space<hbm>>) dst(%arg6 : memref<128x128xf32, #tpu.memory_space<vmem>>)
    %dma_start3A_90 = arith.constant 0 : i32
    %dma_start3A_91 = arith.constant 0 : i32
    %dma_start3A_92 = tpu.memref_slice %arg15[%dma_start3A_90, %dma_start3A_91] : memref<10112x128xf32, #tpu.memory_space<vmem_shared>> -> memref<10112x128xf32, #tpu.memory_space<vmem_shared>>
    tpu.enqueue_indirect_dma source(%arg6 : memref<128x128xf32, #tpu.memory_space<vmem>>) target(%dma_start3A_92 : memref<10112x128xf32, #tpu.memory_space<vmem_shared>>) offsets(%arg12 : memref<128xi32, #tpu.memory_space<vmem>>) semaphore(%arg19 : memref<!tpu.dma_semaphore, #tpu.memory_space<semaphore_mem>>) {add = true}
    %dma_start3A_93 = arith.constant 2 : i32
    %dma_start3A_94 = arith.constant 0 : i32
    %dma_start3A_95 = tpu.memref_slice %arg3[%add3A, %dma_start3A_93, %dma_start3A_94] : memref<32x81x128xi32, #tpu.memory_space<hbm>> -> memref<1x1x128xi32, #tpu.memory_space<hbm>>
    %dma_start3A_96 = tpu.memref_squeeze %dma_start3A_95 : memref<1x1x128xi32, #tpu.memory_space<hbm>> -> memref<128xi32, #tpu.memory_space<hbm>>
    %dma_start3A_97 = arith.constant 0 : i32
    %dma_start3A_98 = tpu.memref_slice %arg3[%add3A, %dma_start3A_93, %dma_start3A_97] : memref<32x81x128xi32, #tpu.memory_space<hbm>> -> memref<1x1x128xi32, #tpu.memory_space<hbm>>
    %dma_start3A_99 = tpu.memref_squeeze %dma_start3A_98 : memref<1x1x128xi32, #tpu.memory_space<hbm>> -> memref<128xi32, #tpu.memory_space<hbm>>
    tpu.enqueue_dma source(%dma_start3A_99 : memref<128xi32, #tpu.memory_space<hbm>>) target(%arg11 : memref<128xi32, #tpu.memory_space<vmem>>) target_semaphore(%arg24 : memref<!tpu.dma_semaphore, #tpu.memory_space<semaphore_mem>>)
    %dma_start3A_100 = arith.constant 2 : i32
    %dma_start3A_101 = arith.constant 0 : i32
    %dma_start3A_102 = tpu.memref_slice %arg4[%add3A, %dma_start3A_100, %dma_start3A_101] : memref<32x81x128xi32, #tpu.memory_space<hbm>> -> memref<1x1x128xi32, #tpu.memory_space<hbm>>
    %dma_start3A_103 = tpu.memref_squeeze %dma_start3A_102 : memref<1x1x128xi32, #tpu.memory_space<hbm>> -> memref<128xi32, #tpu.memory_space<hbm>>
    %dma_start3A_104 = arith.constant 0 : i32
    %dma_start3A_105 = tpu.memref_slice %arg4[%add3A, %dma_start3A_100, %dma_start3A_104] : memref<32x81x128xi32, #tpu.memory_space<hbm>> -> memref<1x1x128xi32, #tpu.memory_space<hbm>>
    %dma_start3A_106 = tpu.memref_squeeze %dma_start3A_105 : memref<1x1x128xi32, #tpu.memory_space<hbm>> -> memref<128xi32, #tpu.memory_space<hbm>>
    tpu.enqueue_dma source(%dma_start3A_106 : memref<128xi32, #tpu.memory_space<hbm>>) target(%arg14 : memref<128xi32, #tpu.memory_space<vmem>>) target_semaphore(%arg27 : memref<!tpu.dma_semaphore, #tpu.memory_space<semaphore_mem>>)
    %scan3A_107 = arith.constant 0 : i32
    %scan3A_108 = arith.constant 0 : i32
    %scan3A_109 = arith.constant 26 : i32
    %scan3A_110 = arith.addi %scan3A_108, %scan3A_109 : i32
    %scan3A_111 = arith.constant 1 : i32
    scf.for %scan3A_154 = %scan3A_108 to %scan3A_110 step %scan3A_111  : i32 {
      %mul3A_155 = arith.constant 3 : i32
      %mul3A_156 = arith.muli %mul3A_155, %scan3A_154 : i32
      %add3A_157 = arith.constant 1 : i32
      %add3A_158 = arith.addi %mul3A_156, %add3A_157 : i32
      %dma_wait3A_159 = arith.constant 0 : i32
      %dma_wait3A_160 = arith.constant 0 : i32
      %dma_wait3A_161 = tpu.memref_slice %arg3[%add3A, %dma_wait3A_159, %dma_wait3A_160] : memref<32x81x128xi32, #tpu.memory_space<hbm>> -> memref<1x1x128xi32, #tpu.memory_space<hbm>>
      %dma_wait3A_162 = tpu.memref_squeeze %dma_wait3A_161 : memref<1x1x128xi32, #tpu.memory_space<hbm>> -> memref<128xi32, #tpu.memory_space<hbm>>
      %dma_wait3A_163 = arith.constant 0 : i32
      %dma_wait3A_164 = tpu.memref_slice %arg3[%add3A, %dma_wait3A_159, %dma_wait3A_163] : memref<32x81x128xi32, #tpu.memory_space<hbm>> -> memref<1x1x128xi32, #tpu.memory_space<hbm>>
      %dma_wait3A_165 = tpu.memref_squeeze %dma_wait3A_164 : memref<1x1x128xi32, #tpu.memory_space<hbm>> -> memref<128xi32, #tpu.memory_space<hbm>>
      tpu.wait_dma2 semaphore(%arg24 : memref<!tpu.dma_semaphore, #tpu.memory_space<semaphore_mem>>) src(%dma_wait3A_165 : memref<128xi32, #tpu.memory_space<hbm>>) dst(%arg11 : memref<128xi32, #tpu.memory_space<vmem>>)
      %dma_wait3A_166 = arith.constant 0 : i32
      %dma_wait3A_167 = arith.constant 0 : i32
      %dma_wait3A_168 = tpu.memref_slice %arg4[%add3A, %dma_wait3A_166, %dma_wait3A_167] : memref<32x81x128xi32, #tpu.memory_space<hbm>> -> memref<1x1x128xi32, #tpu.memory_space<hbm>>
      %dma_wait3A_169 = tpu.memref_squeeze %dma_wait3A_168 : memref<1x1x128xi32, #tpu.memory_space<hbm>> -> memref<128xi32, #tpu.memory_space<hbm>>
      %dma_wait3A_170 = arith.constant 0 : i32
      %dma_wait3A_171 = tpu.memref_slice %arg4[%add3A, %dma_wait3A_166, %dma_wait3A_170] : memref<32x81x128xi32, #tpu.memory_space<hbm>> -> memref<1x1x128xi32, #tpu.memory_space<hbm>>
      %dma_wait3A_172 = tpu.memref_squeeze %dma_wait3A_171 : memref<1x1x128xi32, #tpu.memory_space<hbm>> -> memref<128xi32, #tpu.memory_space<hbm>>
      tpu.wait_dma2 semaphore(%arg27 : memref<!tpu.dma_semaphore, #tpu.memory_space<semaphore_mem>>) src(%dma_wait3A_172 : memref<128xi32, #tpu.memory_space<hbm>>) dst(%arg14 : memref<128xi32, #tpu.memory_space<vmem>>)
      %dma_start3A_173 = arith.constant 0 : i32
      %dma_start3A_174 = arith.constant 0 : i32
      %dma_start3A_175 = tpu.memref_slice %arg2[%dma_start3A_173, %dma_start3A_174] : memref<10112x128xf32, #tpu.memory_space<hbm>> -> memref<10112x128xf32, #tpu.memory_space<hbm>>
      tpu.enqueue_indirect_dma source(%dma_start3A_175 : memref<10112x128xf32, #tpu.memory_space<hbm>>) target(%arg8 : memref<128x128xf32, #tpu.memory_space<vmem>>) offsets(%arg11 : memref<128xi32, #tpu.memory_space<vmem>>) semaphore(%arg18 : memref<!tpu.dma_semaphore, #tpu.memory_space<semaphore_mem>>)
      %dma_wait3A_176 = arith.constant 0 : i32
      %dma_wait3A_177 = arith.constant 0 : i32
      %dma_wait3A_178 = tpu.memref_slice %arg2[%dma_wait3A_176, %dma_wait3A_177] : memref<10112x128xf32, #tpu.memory_space<hbm>> -> memref<10112x128xf32, #tpu.memory_space<hbm>>
      tpu.wait_indirect_dma semaphore(%arg17 : memref<!tpu.dma_semaphore, #tpu.memory_space<semaphore_mem>>) src(%dma_wait3A_178 : memref<10112x128xf32, #tpu.memory_space<hbm>>) dst(%arg7 : memref<128x128xf32, #tpu.memory_space<vmem>>)
      %dma_start3A_179 = arith.constant 0 : i32
      %dma_start3A_180 = arith.constant 0 : i32
      %dma_start3A_181 = tpu.memref_slice %arg15[%dma_start3A_179, %dma_start3A_180] : memref<10112x128xf32, #tpu.memory_space<vmem_shared>> -> memref<10112x128xf32, #tpu.memory_space<vmem_shared>>
      tpu.enqueue_indirect_dma source(%arg7 : memref<128x128xf32, #tpu.memory_space<vmem>>) target(%dma_start3A_181 : memref<10112x128xf32, #tpu.memory_space<vmem_shared>>) offsets(%arg13 : memref<128xi32, #tpu.memory_space<vmem>>) semaphore(%arg20 : memref<!tpu.dma_semaphore, #tpu.memory_space<semaphore_mem>>) {add = true}
      %dma_wait3A_182 = arith.constant 0 : i32
      %dma_wait3A_183 = arith.constant 0 : i32
      %dma_wait3A_184 = tpu.memref_slice %arg15[%dma_wait3A_182, %dma_wait3A_183] : memref<10112x128xf32, #tpu.memory_space<vmem_shared>> -> memref<10112x128xf32, #tpu.memory_space<vmem_shared>>
      tpu.wait_indirect_dma semaphore(%arg19 : memref<!tpu.dma_semaphore, #tpu.memory_space<semaphore_mem>>) src(%arg6 : memref<128x128xf32, #tpu.memory_space<vmem>>) dst(%dma_wait3A_184 : memref<10112x128xf32, #tpu.memory_space<vmem_shared>>)
      %add3A_185 = arith.constant 2 : i32
      %add3A_186 = arith.addi %add3A_158, %add3A_185 : i32
      %dma_start3A_187 = arith.constant 0 : i32
      %dma_start3A_188 = tpu.memref_slice %arg3[%add3A, %add3A_186, %dma_start3A_187] : memref<32x81x128xi32, #tpu.memory_space<hbm>> -> memref<1x1x128xi32, #tpu.memory_space<hbm>>
      %dma_start3A_189 = tpu.memref_squeeze %dma_start3A_188 : memref<1x1x128xi32, #tpu.memory_space<hbm>> -> memref<128xi32, #tpu.memory_space<hbm>>
      %dma_start3A_190 = arith.constant 0 : i32
      %dma_start3A_191 = tpu.memref_slice %arg3[%add3A, %add3A_186, %dma_start3A_190] : memref<32x81x128xi32, #tpu.memory_space<hbm>> -> memref<1x1x128xi32, #tpu.memory_space<hbm>>
      %dma_start3A_192 = tpu.memref_squeeze %dma_start3A_191 : memref<1x1x128xi32, #tpu.memory_space<hbm>> -> memref<128xi32, #tpu.memory_space<hbm>>
      tpu.enqueue_dma source(%dma_start3A_192 : memref<128xi32, #tpu.memory_space<hbm>>) target(%arg9 : memref<128xi32, #tpu.memory_space<vmem>>) target_semaphore(%arg22 : memref<!tpu.dma_semaphore, #tpu.memory_space<semaphore_mem>>)
      %dma_start3A_193 = arith.constant 0 : i32
      %dma_start3A_194 = tpu.memref_slice %arg4[%add3A, %add3A_186, %dma_start3A_193] : memref<32x81x128xi32, #tpu.memory_space<hbm>> -> memref<1x1x128xi32, #tpu.memory_space<hbm>>
      %dma_start3A_195 = tpu.memref_squeeze %dma_start3A_194 : memref<1x1x128xi32, #tpu.memory_space<hbm>> -> memref<128xi32, #tpu.memory_space<hbm>>
      %dma_start3A_196 = arith.constant 0 : i32
      %dma_start3A_197 = tpu.memref_slice %arg4[%add3A, %add3A_186, %dma_start3A_196] : memref<32x81x128xi32, #tpu.memory_space<hbm>> -> memref<1x1x128xi32, #tpu.memory_space<hbm>>
      %dma_start3A_198 = tpu.memref_squeeze %dma_start3A_197 : memref<1x1x128xi32, #tpu.memory_space<hbm>> -> memref<128xi32, #tpu.memory_space<hbm>>
      tpu.enqueue_dma source(%dma_start3A_198 : memref<128xi32, #tpu.memory_space<hbm>>) target(%arg12 : memref<128xi32, #tpu.memory_space<vmem>>) target_semaphore(%arg25 : memref<!tpu.dma_semaphore, #tpu.memory_space<semaphore_mem>>)
      %add3A_199 = arith.constant 1 : i32
      %add3A_200 = arith.addi %add3A_158, %add3A_199 : i32
      %dma_wait3A_201 = arith.constant 0 : i32
      %dma_wait3A_202 = arith.constant 0 : i32
      %dma_wait3A_203 = tpu.memref_slice %arg3[%add3A, %dma_wait3A_201, %dma_wait3A_202] : memref<32x81x128xi32, #tpu.memory_space<hbm>> -> memref<1x1x128xi32, #tpu.memory_space<hbm>>
      %dma_wait3A_204 = tpu.memref_squeeze %dma_wait3A_203 : memref<1x1x128xi32, #tpu.memory_space<hbm>> -> memref<128xi32, #tpu.memory_space<hbm>>
      %dma_wait3A_205 = arith.constant 0 : i32
      %dma_wait3A_206 = tpu.memref_slice %arg3[%add3A, %dma_wait3A_201, %dma_wait3A_205] : memref<32x81x128xi32, #tpu.memory_space<hbm>> -> memref<1x1x128xi32, #tpu.memory_space<hbm>>
      %dma_wait3A_207 = tpu.memref_squeeze %dma_wait3A_206 : memref<1x1x128xi32, #tpu.memory_space<hbm>> -> memref<128xi32, #tpu.memory_space<hbm>>
      tpu.wait_dma2 semaphore(%arg22 : memref<!tpu.dma_semaphore, #tpu.memory_space<semaphore_mem>>) src(%dma_wait3A_207 : memref<128xi32, #tpu.memory_space<hbm>>) dst(%arg9 : memref<128xi32, #tpu.memory_space<vmem>>)
      %dma_wait3A_208 = arith.constant 0 : i32
      %dma_wait3A_209 = arith.constant 0 : i32
      %dma_wait3A_210 = tpu.memref_slice %arg4[%add3A, %dma_wait3A_208, %dma_wait3A_209] : memref<32x81x128xi32, #tpu.memory_space<hbm>> -> memref<1x1x128xi32, #tpu.memory_space<hbm>>
      %dma_wait3A_211 = tpu.memref_squeeze %dma_wait3A_210 : memref<1x1x128xi32, #tpu.memory_space<hbm>> -> memref<128xi32, #tpu.memory_space<hbm>>
      %dma_wait3A_212 = arith.constant 0 : i32
      %dma_wait3A_213 = tpu.memref_slice %arg4[%add3A, %dma_wait3A_208, %dma_wait3A_212] : memref<32x81x128xi32, #tpu.memory_space<hbm>> -> memref<1x1x128xi32, #tpu.memory_space<hbm>>
      %dma_wait3A_214 = tpu.memref_squeeze %dma_wait3A_213 : memref<1x1x128xi32, #tpu.memory_space<hbm>> -> memref<128xi32, #tpu.memory_space<hbm>>
      tpu.wait_dma2 semaphore(%arg25 : memref<!tpu.dma_semaphore, #tpu.memory_space<semaphore_mem>>) src(%dma_wait3A_214 : memref<128xi32, #tpu.memory_space<hbm>>) dst(%arg12 : memref<128xi32, #tpu.memory_space<vmem>>)
      %dma_start3A_215 = arith.constant 0 : i32
      %dma_start3A_216 = arith.constant 0 : i32
      %dma_start3A_217 = tpu.memref_slice %arg2[%dma_start3A_215, %dma_start3A_216] : memref<10112x128xf32, #tpu.memory_space<hbm>> -> memref<10112x128xf32, #tpu.memory_space<hbm>>
      tpu.enqueue_indirect_dma source(%dma_start3A_217 : memref<10112x128xf32, #tpu.memory_space<hbm>>) target(%arg6 : memref<128x128xf32, #tpu.memory_space<vmem>>) offsets(%arg9 : memref<128xi32, #tpu.memory_space<vmem>>) semaphore(%arg16 : memref<!tpu.dma_semaphore, #tpu.memory_space<semaphore_mem>>)
      %dma_wait3A_218 = arith.constant 0 : i32
      %dma_wait3A_219 = arith.constant 0 : i32
      %dma_wait3A_220 = tpu.memref_slice %arg2[%dma_wait3A_218, %dma_wait3A_219] : memref<10112x128xf32, #tpu.memory_space<hbm>> -> memref<10112x128xf32, #tpu.memory_space<hbm>>
      tpu.wait_indirect_dma semaphore(%arg18 : memref<!tpu.dma_semaphore, #tpu.memory_space<semaphore_mem>>) src(%dma_wait3A_220 : memref<10112x128xf32, #tpu.memory_space<hbm>>) dst(%arg8 : memref<128x128xf32, #tpu.memory_space<vmem>>)
      %dma_start3A_221 = arith.constant 0 : i32
      %dma_start3A_222 = arith.constant 0 : i32
      %dma_start3A_223 = tpu.memref_slice %arg15[%dma_start3A_221, %dma_start3A_222] : memref<10112x128xf32, #tpu.memory_space<vmem_shared>> -> memref<10112x128xf32, #tpu.memory_space<vmem_shared>>
      tpu.enqueue_indirect_dma source(%arg8 : memref<128x128xf32, #tpu.memory_space<vmem>>) target(%dma_start3A_223 : memref<10112x128xf32, #tpu.memory_space<vmem_shared>>) offsets(%arg14 : memref<128xi32, #tpu.memory_space<vmem>>) semaphore(%arg21 : memref<!tpu.dma_semaphore, #tpu.memory_space<semaphore_mem>>) {add = true}
      %dma_wait3A_224 = arith.constant 0 : i32
      %dma_wait3A_225 = arith.constant 0 : i32
      %dma_wait3A_226 = tpu.memref_slice %arg15[%dma_wait3A_224, %dma_wait3A_225] : memref<10112x128xf32, #tpu.memory_space<vmem_shared>> -> memref<10112x128xf32, #tpu.memory_space<vmem_shared>>
      tpu.wait_indirect_dma semaphore(%arg20 : memref<!tpu.dma_semaphore, #tpu.memory_space<semaphore_mem>>) src(%arg7 : memref<128x128xf32, #tpu.memory_space<vmem>>) dst(%dma_wait3A_226 : memref<10112x128xf32, #tpu.memory_space<vmem_shared>>)
      %add3A_227 = arith.constant 2 : i32
      %add3A_228 = arith.addi %add3A_200, %add3A_227 : i32
      %dma_start3A_229 = arith.constant 0 : i32
      %dma_start3A_230 = tpu.memref_slice %arg3[%add3A, %add3A_228, %dma_start3A_229] : memref<32x81x128xi32, #tpu.memory_space<hbm>> -> memref<1x1x128xi32, #tpu.memory_space<hbm>>
      %dma_start3A_231 = tpu.memref_squeeze %dma_start3A_230 : memref<1x1x128xi32, #tpu.memory_space<hbm>> -> memref<128xi32, #tpu.memory_space<hbm>>
      %dma_start3A_232 = arith.constant 0 : i32
      %dma_start3A_233 = tpu.memref_slice %arg3[%add3A, %add3A_228, %dma_start3A_232] : memref<32x81x128xi32, #tpu.memory_space<hbm>> -> memref<1x1x128xi32, #tpu.memory_space<hbm>>
      %dma_start3A_234 = tpu.memref_squeeze %dma_start3A_233 : memref<1x1x128xi32, #tpu.memory_space<hbm>> -> memref<128xi32, #tpu.memory_space<hbm>>
      tpu.enqueue_dma source(%dma_start3A_234 : memref<128xi32, #tpu.memory_space<hbm>>) target(%arg10 : memref<128xi32, #tpu.memory_space<vmem>>) target_semaphore(%arg23 : memref<!tpu.dma_semaphore, #tpu.memory_space<semaphore_mem>>)
      %dma_start3A_235 = arith.constant 0 : i32
      %dma_start3A_236 = tpu.memref_slice %arg4[%add3A, %add3A_228, %dma_start3A_235] : memref<32x81x128xi32, #tpu.memory_space<hbm>> -> memref<1x1x128xi32, #tpu.memory_space<hbm>>
      %dma_start3A_237 = tpu.memref_squeeze %dma_start3A_236 : memref<1x1x128xi32, #tpu.memory_space<hbm>> -> memref<128xi32, #tpu.memory_space<hbm>>
      %dma_start3A_238 = arith.constant 0 : i32
      %dma_start3A_239 = tpu.memref_slice %arg4[%add3A, %add3A_228, %dma_start3A_238] : memref<32x81x128xi32, #tpu.memory_space<hbm>> -> memref<1x1x128xi32, #tpu.memory_space<hbm>>
      %dma_start3A_240 = tpu.memref_squeeze %dma_start3A_239 : memref<1x1x128xi32, #tpu.memory_space<hbm>> -> memref<128xi32, #tpu.memory_space<hbm>>
      tpu.enqueue_dma source(%dma_start3A_240 : memref<128xi32, #tpu.memory_space<hbm>>) target(%arg13 : memref<128xi32, #tpu.memory_space<vmem>>) target_semaphore(%arg26 : memref<!tpu.dma_semaphore, #tpu.memory_space<semaphore_mem>>)
      %add3A_241 = arith.constant 2 : i32
      %add3A_242 = arith.addi %add3A_158, %add3A_241 : i32
      %dma_wait3A_243 = arith.constant 0 : i32
      %dma_wait3A_244 = arith.constant 0 : i32
      %dma_wait3A_245 = tpu.memref_slice %arg3[%add3A, %dma_wait3A_243, %dma_wait3A_244] : memref<32x81x128xi32, #tpu.memory_space<hbm>> -> memref<1x1x128xi32, #tpu.memory_space<hbm>>
      %dma_wait3A_246 = tpu.memref_squeeze %dma_wait3A_245 : memref<1x1x128xi32, #tpu.memory_space<hbm>> -> memref<128xi32, #tpu.memory_space<hbm>>
      %dma_wait3A_247 = arith.constant 0 : i32
      %dma_wait3A_248 = tpu.memref_slice %arg3[%add3A, %dma_wait3A_243, %dma_wait3A_247] : memref<32x81x128xi32, #tpu.memory_space<hbm>> -> memref<1x1x128xi32, #tpu.memory_space<hbm>>
      %dma_wait3A_249 = tpu.memref_squeeze %dma_wait3A_248 : memref<1x1x128xi32, #tpu.memory_space<hbm>> -> memref<128xi32, #tpu.memory_space<hbm>>
      tpu.wait_dma2 semaphore(%arg23 : memref<!tpu.dma_semaphore, #tpu.memory_space<semaphore_mem>>) src(%dma_wait3A_249 : memref<128xi32, #tpu.memory_space<hbm>>) dst(%arg10 : memref<128xi32, #tpu.memory_space<vmem>>)
      %dma_wait3A_250 = arith.constant 0 : i32
      %dma_wait3A_251 = arith.constant 0 : i32
      %dma_wait3A_252 = tpu.memref_slice %arg4[%add3A, %dma_wait3A_250, %dma_wait3A_251] : memref<32x81x128xi32, #tpu.memory_space<hbm>> -> memref<1x1x128xi32, #tpu.memory_space<hbm>>
      %dma_wait3A_253 = tpu.memref_squeeze %dma_wait3A_252 : memref<1x1x128xi32, #tpu.memory_space<hbm>> -> memref<128xi32, #tpu.memory_space<hbm>>
      %dma_wait3A_254 = arith.constant 0 : i32
      %dma_wait3A_255 = tpu.memref_slice %arg4[%add3A, %dma_wait3A_250, %dma_wait3A_254] : memref<32x81x128xi32, #tpu.memory_space<hbm>> -> memref<1x1x128xi32, #tpu.memory_space<hbm>>
      %dma_wait3A_256 = tpu.memref_squeeze %dma_wait3A_255 : memref<1x1x128xi32, #tpu.memory_space<hbm>> -> memref<128xi32, #tpu.memory_space<hbm>>
      tpu.wait_dma2 semaphore(%arg26 : memref<!tpu.dma_semaphore, #tpu.memory_space<semaphore_mem>>) src(%dma_wait3A_256 : memref<128xi32, #tpu.memory_space<hbm>>) dst(%arg13 : memref<128xi32, #tpu.memory_space<vmem>>)
      %dma_start3A_257 = arith.constant 0 : i32
      %dma_start3A_258 = arith.constant 0 : i32
      %dma_start3A_259 = tpu.memref_slice %arg2[%dma_start3A_257, %dma_start3A_258] : memref<10112x128xf32, #tpu.memory_space<hbm>> -> memref<10112x128xf32, #tpu.memory_space<hbm>>
      tpu.enqueue_indirect_dma source(%dma_start3A_259 : memref<10112x128xf32, #tpu.memory_space<hbm>>) target(%arg7 : memref<128x128xf32, #tpu.memory_space<vmem>>) offsets(%arg10 : memref<128xi32, #tpu.memory_space<vmem>>) semaphore(%arg17 : memref<!tpu.dma_semaphore, #tpu.memory_space<semaphore_mem>>)
      %dma_wait3A_260 = arith.constant 0 : i32
      %dma_wait3A_261 = arith.constant 0 : i32
      %dma_wait3A_262 = tpu.memref_slice %arg2[%dma_wait3A_260, %dma_wait3A_261] : memref<10112x128xf32, #tpu.memory_space<hbm>> -> memref<10112x128xf32, #tpu.memory_space<hbm>>
      tpu.wait_indirect_dma semaphore(%arg16 : memref<!tpu.dma_semaphore, #tpu.memory_space<semaphore_mem>>) src(%dma_wait3A_262 : memref<10112x128xf32, #tpu.memory_space<hbm>>) dst(%arg6 : memref<128x128xf32, #tpu.memory_space<vmem>>)
      %dma_start3A_263 = arith.constant 0 : i32
      %dma_start3A_264 = arith.constant 0 : i32
      %dma_start3A_265 = tpu.memref_slice %arg15[%dma_start3A_263, %dma_start3A_264] : memref<10112x128xf32, #tpu.memory_space<vmem_shared>> -> memref<10112x128xf32, #tpu.memory_space<vmem_shared>>
      tpu.enqueue_indirect_dma source(%arg6 : memref<128x128xf32, #tpu.memory_space<vmem>>) target(%dma_start3A_265 : memref<10112x128xf32, #tpu.memory_space<vmem_shared>>) offsets(%arg12 : memref<128xi32, #tpu.memory_space<vmem>>) semaphore(%arg19 : memref<!tpu.dma_semaphore, #tpu.memory_space<semaphore_mem>>) {add = true}
      %dma_wait3A_266 = arith.constant 0 : i32
      %dma_wait3A_267 = arith.constant 0 : i32
      %dma_wait3A_268 = tpu.memref_slice %arg15[%dma_wait3A_266, %dma_wait3A_267] : memref<10112x128xf32, #tpu.memory_space<vmem_shared>> -> memref<10112x128xf32, #tpu.memory_space<vmem_shared>>
      tpu.wait_indirect_dma semaphore(%arg21 : memref<!tpu.dma_semaphore, #tpu.memory_space<semaphore_mem>>) src(%arg8 : memref<128x128xf32, #tpu.memory_space<vmem>>) dst(%dma_wait3A_268 : memref<10112x128xf32, #tpu.memory_space<vmem_shared>>)
      %add3A_269 = arith.constant 2 : i32
      %add3A_270 = arith.addi %add3A_242, %add3A_269 : i32
      %dma_start3A_271 = arith.constant 0 : i32
      %dma_start3A_272 = tpu.memref_slice %arg3[%add3A, %add3A_270, %dma_start3A_271] : memref<32x81x128xi32, #tpu.memory_space<hbm>> -> memref<1x1x128xi32, #tpu.memory_space<hbm>>
      %dma_start3A_273 = tpu.memref_squeeze %dma_start3A_272 : memref<1x1x128xi32, #tpu.memory_space<hbm>> -> memref<128xi32, #tpu.memory_space<hbm>>
      %dma_start3A_274 = arith.constant 0 : i32
      %dma_start3A_275 = tpu.memref_slice %arg3[%add3A, %add3A_270, %dma_start3A_274] : memref<32x81x128xi32, #tpu.memory_space<hbm>> -> memref<1x1x128xi32, #tpu.memory_space<hbm>>
      %dma_start3A_276 = tpu.memref_squeeze %dma_start3A_275 : memref<1x1x128xi32, #tpu.memory_space<hbm>> -> memref<128xi32, #tpu.memory_space<hbm>>
      tpu.enqueue_dma source(%dma_start3A_276 : memref<128xi32, #tpu.memory_space<hbm>>) target(%arg11 : memref<128xi32, #tpu.memory_space<vmem>>) target_semaphore(%arg24 : memref<!tpu.dma_semaphore, #tpu.memory_space<semaphore_mem>>)
      %dma_start3A_277 = arith.constant 0 : i32
      %dma_start3A_278 = tpu.memref_slice %arg4[%add3A, %add3A_270, %dma_start3A_277] : memref<32x81x128xi32, #tpu.memory_space<hbm>> -> memref<1x1x128xi32, #tpu.memory_space<hbm>>
      %dma_start3A_279 = tpu.memref_squeeze %dma_start3A_278 : memref<1x1x128xi32, #tpu.memory_space<hbm>> -> memref<128xi32, #tpu.memory_space<hbm>>
      %dma_start3A_280 = arith.constant 0 : i32
      %dma_start3A_281 = tpu.memref_slice %arg4[%add3A, %add3A_270, %dma_start3A_280] : memref<32x81x128xi32, #tpu.memory_space<hbm>> -> memref<1x1x128xi32, #tpu.memory_space<hbm>>
      %dma_start3A_282 = tpu.memref_squeeze %dma_start3A_281 : memref<1x1x128xi32, #tpu.memory_space<hbm>> -> memref<128xi32, #tpu.memory_space<hbm>>
      tpu.enqueue_dma source(%dma_start3A_282 : memref<128xi32, #tpu.memory_space<hbm>>) target(%arg14 : memref<128xi32, #tpu.memory_space<vmem>>) target_semaphore(%arg27 : memref<!tpu.dma_semaphore, #tpu.memory_space<semaphore_mem>>)
    }
    %scan3A_112 = arith.constant 26 : i32
    %dma_wait3A_113 = arith.constant 0 : i32
    %dma_wait3A_114 = arith.constant 0 : i32
    %dma_wait3A_115 = tpu.memref_slice %arg3[%add3A, %dma_wait3A_113, %dma_wait3A_114] : memref<32x81x128xi32, #tpu.memory_space<hbm>> -> memref<1x1x128xi32, #tpu.memory_space<hbm>>
    %dma_wait3A_116 = tpu.memref_squeeze %dma_wait3A_115 : memref<1x1x128xi32, #tpu.memory_space<hbm>> -> memref<128xi32, #tpu.memory_space<hbm>>
    %dma_wait3A_117 = arith.constant 0 : i32
    %dma_wait3A_118 = tpu.memref_slice %arg3[%add3A, %dma_wait3A_113, %dma_wait3A_117] : memref<32x81x128xi32, #tpu.memory_space<hbm>> -> memref<1x1x128xi32, #tpu.memory_space<hbm>>
    %dma_wait3A_119 = tpu.memref_squeeze %dma_wait3A_118 : memref<1x1x128xi32, #tpu.memory_space<hbm>> -> memref<128xi32, #tpu.memory_space<hbm>>
    tpu.wait_dma2 semaphore(%arg24 : memref<!tpu.dma_semaphore, #tpu.memory_space<semaphore_mem>>) src(%dma_wait3A_119 : memref<128xi32, #tpu.memory_space<hbm>>) dst(%arg11 : memref<128xi32, #tpu.memory_space<vmem>>)
    %dma_wait3A_120 = arith.constant 0 : i32
    %dma_wait3A_121 = arith.constant 0 : i32
    %dma_wait3A_122 = tpu.memref_slice %arg4[%add3A, %dma_wait3A_120, %dma_wait3A_121] : memref<32x81x128xi32, #tpu.memory_space<hbm>> -> memref<1x1x128xi32, #tpu.memory_space<hbm>>
    %dma_wait3A_123 = tpu.memref_squeeze %dma_wait3A_122 : memref<1x1x128xi32, #tpu.memory_space<hbm>> -> memref<128xi32, #tpu.memory_space<hbm>>
    %dma_wait3A_124 = arith.constant 0 : i32
    %dma_wait3A_125 = tpu.memref_slice %arg4[%add3A, %dma_wait3A_120, %dma_wait3A_124] : memref<32x81x128xi32, #tpu.memory_space<hbm>> -> memref<1x1x128xi32, #tpu.memory_space<hbm>>
    %dma_wait3A_126 = tpu.memref_squeeze %dma_wait3A_125 : memref<1x1x128xi32, #tpu.memory_space<hbm>> -> memref<128xi32, #tpu.memory_space<hbm>>
    tpu.wait_dma2 semaphore(%arg27 : memref<!tpu.dma_semaphore, #tpu.memory_space<semaphore_mem>>) src(%dma_wait3A_126 : memref<128xi32, #tpu.memory_space<hbm>>) dst(%arg14 : memref<128xi32, #tpu.memory_space<vmem>>)
    %dma_start3A_127 = arith.constant 0 : i32
    %dma_start3A_128 = arith.constant 0 : i32
    %dma_start3A_129 = tpu.memref_slice %arg2[%dma_start3A_127, %dma_start3A_128] : memref<10112x128xf32, #tpu.memory_space<hbm>> -> memref<10112x128xf32, #tpu.memory_space<hbm>>
    tpu.enqueue_indirect_dma source(%dma_start3A_129 : memref<10112x128xf32, #tpu.memory_space<hbm>>) target(%arg8 : memref<128x128xf32, #tpu.memory_space<vmem>>) offsets(%arg11 : memref<128xi32, #tpu.memory_space<vmem>>) semaphore(%arg18 : memref<!tpu.dma_semaphore, #tpu.memory_space<semaphore_mem>>)
    %dma_wait3A_130 = arith.constant 0 : i32
    %dma_wait3A_131 = arith.constant 0 : i32
    %dma_wait3A_132 = tpu.memref_slice %arg2[%dma_wait3A_130, %dma_wait3A_131] : memref<10112x128xf32, #tpu.memory_space<hbm>> -> memref<10112x128xf32, #tpu.memory_space<hbm>>
    tpu.wait_indirect_dma semaphore(%arg17 : memref<!tpu.dma_semaphore, #tpu.memory_space<semaphore_mem>>) src(%dma_wait3A_132 : memref<10112x128xf32, #tpu.memory_space<hbm>>) dst(%arg7 : memref<128x128xf32, #tpu.memory_space<vmem>>)
    %dma_start3A_133 = arith.constant 0 : i32
    %dma_start3A_134 = arith.constant 0 : i32
    %dma_start3A_135 = tpu.memref_slice %arg15[%dma_start3A_133, %dma_start3A_134] : memref<10112x128xf32, #tpu.memory_space<vmem_shared>> -> memref<10112x128xf32, #tpu.memory_space<vmem_shared>>
    tpu.enqueue_indirect_dma source(%arg7 : memref<128x128xf32, #tpu.memory_space<vmem>>) target(%dma_start3A_135 : memref<10112x128xf32, #tpu.memory_space<vmem_shared>>) offsets(%arg13 : memref<128xi32, #tpu.memory_space<vmem>>) semaphore(%arg20 : memref<!tpu.dma_semaphore, #tpu.memory_space<semaphore_mem>>) {add = true}
    %dma_wait3A_136 = arith.constant 0 : i32
    %dma_wait3A_137 = arith.constant 0 : i32
    %dma_wait3A_138 = tpu.memref_slice %arg15[%dma_wait3A_136, %dma_wait3A_137] : memref<10112x128xf32, #tpu.memory_space<vmem_shared>> -> memref<10112x128xf32, #tpu.memory_space<vmem_shared>>
    tpu.wait_indirect_dma semaphore(%arg19 : memref<!tpu.dma_semaphore, #tpu.memory_space<semaphore_mem>>) src(%arg6 : memref<128x128xf32, #tpu.memory_space<vmem>>) dst(%dma_wait3A_138 : memref<10112x128xf32, #tpu.memory_space<vmem_shared>>)
    %dma_wait3A_139 = arith.constant 0 : i32
    %dma_wait3A_140 = arith.constant 0 : i32
    %dma_wait3A_141 = tpu.memref_slice %arg2[%dma_wait3A_139, %dma_wait3A_140] : memref<10112x128xf32, #tpu.memory_space<hbm>> -> memref<10112x128xf32, #tpu.memory_space<hbm>>
    tpu.wait_indirect_dma semaphore(%arg18 : memref<!tpu.dma_semaphore, #tpu.memory_space<semaphore_mem>>) src(%dma_wait3A_141 : memref<10112x128xf32, #tpu.memory_space<hbm>>) dst(%arg8 : memref<128x128xf32, #tpu.memory_space<vmem>>)
    %dma_start3A_142 = arith.constant 0 : i32
    %dma_start3A_143 = arith.constant 0 : i32
    %dma_start3A_144 = tpu.memref_slice %arg15[%dma_start3A_142, %dma_start3A_143] : memref<10112x128xf32, #tpu.memory_space<vmem_shared>> -> memref<10112x128xf32, #tpu.memory_space<vmem_shared>>
    tpu.enqueue_indirect_dma source(%arg8 : memref<128x128xf32, #tpu.memory_space<vmem>>) target(%dma_start3A_144 : memref<10112x128xf32, #tpu.memory_space<vmem_shared>>) offsets(%arg14 : memref<128xi32, #tpu.memory_space<vmem>>) semaphore(%arg21 : memref<!tpu.dma_semaphore, #tpu.memory_space<semaphore_mem>>) {add = true}
    %dma_wait3A_145 = arith.constant 0 : i32
    %dma_wait3A_146 = arith.constant 0 : i32
    %dma_wait3A_147 = tpu.memref_slice %arg15[%dma_wait3A_145, %dma_wait3A_146] : memref<10112x128xf32, #tpu.memory_space<vmem_shared>> -> memref<10112x128xf32, #tpu.memory_space<vmem_shared>>
    tpu.wait_indirect_dma semaphore(%arg20 : memref<!tpu.dma_semaphore, #tpu.memory_space<semaphore_mem>>) src(%arg7 : memref<128x128xf32, #tpu.memory_space<vmem>>) dst(%dma_wait3A_147 : memref<10112x128xf32, #tpu.memory_space<vmem_shared>>)
    %dma_wait3A_148 = arith.constant 0 : i32
    %dma_wait3A_149 = arith.constant 0 : i32
    %dma_wait3A_150 = tpu.memref_slice %arg15[%dma_wait3A_148, %dma_wait3A_149] : memref<10112x128xf32, #tpu.memory_space<vmem_shared>> -> memref<10112x128xf32, #tpu.memory_space<vmem_shared>>
    tpu.wait_indirect_dma semaphore(%arg21 : memref<!tpu.dma_semaphore, #tpu.memory_space<semaphore_mem>>) src(%arg8 : memref<128x128xf32, #tpu.memory_space<vmem>>) dst(%dma_wait3A_150 : memref<10112x128xf32, #tpu.memory_space<vmem_shared>>)
    %barrier3A_151 = arith.constant 0 : index
    tpu.barrier barrier_id(%barrier3A_151)
    %mul3A_152 = arith.constant 632 : i32
    %mul3A_153 = arith.muli %arg1, %mul3A_152 : i32
    "tpu.region"() ({
      %run_scoped3A = tpu.sem_alloc : memref<!tpu.dma_semaphore, #tpu.memory_space<semaphore_mem>>
      %dma_start3A_154 = arith.constant 0 : i32
      %dma_start3A_155 = arith.constant 0 : i32
      %dma_start3A_156 = tpu.memref_slice %arg5[%add3A, %dma_start3A_154, %dma_start3A_155] : memref<32x632x128xf32, #tpu.memory_space<hbm>> -> memref<1x632x128xf32, #tpu.memory_space<hbm>>
      %dma_start3A_157 = tpu.memref_squeeze %dma_start3A_156 : memref<1x632x128xf32, #tpu.memory_space<hbm>> -> memref<632x128xf32, #tpu.memory_space<hbm>>
      %dma_start3A_158 = arith.constant 0 : i32
      %dma_start3A_159 = tpu.memref_slice %arg15[%mul3A_153, %dma_start3A_158] : memref<10112x128xf32, #tpu.memory_space<vmem_shared>> -> memref<632x128xf32, #tpu.memory_space<vmem_shared>>
      tpu.enqueue_dma source(%dma_start3A_159 : memref<632x128xf32, #tpu.memory_space<vmem_shared>>) target(%dma_start3A_157 : memref<632x128xf32, #tpu.memory_space<hbm>>) target_semaphore(%run_scoped3A : memref<!tpu.dma_semaphore, #tpu.memory_space<semaphore_mem>>)
      %dma_wait3A_160 = arith.constant 0 : i32
      %dma_wait3A_161 = arith.constant 0 : i32
      %dma_wait3A_162 = tpu.memref_slice %arg5[%add3A, %dma_wait3A_160, %dma_wait3A_161] : memref<32x632x128xf32, #tpu.memory_space<hbm>> -> memref<1x632x128xf32, #tpu.memory_space<hbm>>
      %dma_wait3A_163 = tpu.memref_squeeze %dma_wait3A_162 : memref<1x632x128xf32, #tpu.memory_space<hbm>> -> memref<632x128xf32, #tpu.memory_space<hbm>>
      %dma_wait3A_164 = arith.constant 0 : i32
      %dma_wait3A_165 = tpu.memref_slice %arg15[%mul3A_153, %dma_wait3A_164] : memref<10112x128xf32, #tpu.memory_space<vmem_shared>> -> memref<632x128xf32, #tpu.memory_space<vmem_shared>>
      tpu.wait_dma2 semaphore(%run_scoped3A : memref<!tpu.dma_semaphore, #tpu.memory_space<semaphore_mem>>) src(%dma_wait3A_165 : memref<632x128xf32, #tpu.memory_space<vmem_shared>>) dst(%dma_wait3A_163 : memref<632x128xf32, #tpu.memory_space<hbm>>)
      tpu.yield
    }) : () -> ()
    return
  }
}

module attributes {stable_mosaic.version = 14 : i64} {
  func.func @_transform_body(%arg0: i32, %arg1: memref<2000x128xf32, #tpu.memory_space<vmem>>, %arg2: memref<128x128xf32, #tpu.memory_space<vmem>>, %arg3: memref<2000x2xf32, #tpu.memory_space<vmem>>, %arg4: memref<2000x128xf32, #tpu.memory_space<vmem>>) attributes {dimension_semantics = [#tpu.dimension_semantics<arbitrary>], iteration_bounds = array<i64: 5>, scalar_prefetch = 0 : i64, scratch_operands = 0 : i64, tpu.core_type = #tpu.core_type<tc>, window_params = [{transform_indices = @transform_0, window_bounds = array<i64: 2000, 128>}, {pipeline_mode = #tpu.pipeline_mode<synchronous>, transform_indices = @transform_1, window_bounds = array<i64: 128, 128>}, {transform_indices = @transform_2, window_bounds = array<i64: 2000, 2>}, {transform_indices = @transform_3, window_bounds = array<i64: 2000, 128>}]} {
    %get3A = arith.constant 0 : index
    %get3A_0 = arith.constant 0 : index
    %get3A_1 = vector.load %arg3[%get3A, %get3A_0] : memref<2000x2xf32, #tpu.memory_space<vmem>>, vector<2000x1xf32>
    %get3A_2 = arith.constant 0 : index
    %get3A_3 = arith.constant 1 : index
    %get3A_4 = vector.load %arg3[%get3A_2, %get3A_3] : memref<2000x2xf32, #tpu.memory_space<vmem>>, vector<2000x1xf32>
    %add3A = arith.addf %get3A_1, %get3A_4 : vector<2000x1xf32>
    %add3A_5 = arith.constant 1.000000e+00 : f32
    %add3A_6 = vector.broadcast %add3A_5 : f32 to vector<2000x1xf32>
    %add3A_7 = arith.addf %add3A, %add3A_6 : vector<2000x1xf32>
    %rsqrt3A = math.rsqrt %add3A_7 : vector<2000x1xf32>
    %get3A_8 = arith.constant 0 : index
    %get3A_9 = arith.constant 0 : index
    %get3A_10 = vector.load %arg1[%get3A_8, %get3A_9] : memref<2000x128xf32, #tpu.memory_space<vmem>>, vector<2000x128xf32>
    %get3A_11 = arith.constant 0 : index
    %get3A_12 = arith.constant 0 : index
    %get3A_13 = vector.load %arg2[%get3A_11, %get3A_12] : memref<128x128xf32, #tpu.memory_space<vmem>>, vector<128x128xf32>
    %dot_general3A = arith.constant dense<0.000000e+00> : vector<2000x128xf32>
    %dot_general3A_14 = tpu.matmul %get3A_10, %get3A_13, %dot_general3A {dimension_numbers = #tpu.dot_dimension_numbers<[1], [0], [0], [1], [0, 0, 1, 1], [], []>, transpose_lhs_hint = false} : vector<2000x128xf32>, vector<128x128xf32>, vector<2000x128xf32> -> vector<2000x128xf32>
    %mul3A = vector.broadcast %rsqrt3A : vector<2000x1xf32> to vector<2000x128xf32>
    %mul3A_15 = arith.mulf %dot_general3A_14, %mul3A : vector<2000x128xf32>
    %swap3A = arith.constant 0 : index
    %swap3A_16 = arith.constant 0 : index
    %swap3A_17 = vector.load %arg4[%swap3A, %swap3A_16] : memref<2000x128xf32, #tpu.memory_space<vmem>>, vector<2000x128xf32>
    tpu.vector_store %arg4[%swap3A, %swap3A_16], %mul3A_15 {strides = array<i32>} : memref<2000x128xf32, #tpu.memory_space<vmem>>, vector<2000x128xf32>,
    return
  }
  func.func @transform_0(%arg0: i32) -> (i32, i32) {
    %c0_i32 = arith.constant 0 : i32
    %c0_i32_0 = arith.constant 0 : i32
    return %arg0, %c0_i32 : i32, i32
  }
  func.func @transform_1(%arg0: i32) -> (i32, i32) {
    %c0_i32 = arith.constant 0 : i32
    %c0_i32_0 = arith.constant 0 : i32
    %c0_i32_1 = arith.constant 0 : i32
    return %c0_i32, %c0_i32_0 : i32, i32
  }
  func.func @transform_2(%arg0: i32) -> (i32, i32) {
    %c0_i32 = arith.constant 0 : i32
    %c0_i32_0 = arith.constant 0 : i32
    return %arg0, %c0_i32 : i32, i32
  }
  func.func @transform_3(%arg0: i32) -> (i32, i32) {
    %c0_i32 = arith.constant 0 : i32
    %c0_i32_0 = arith.constant 0 : i32
    return %arg0, %c0_i32 : i32, i32
  }
}

module attributes {stable_mosaic.version = 14 : i64} {
  func.func @_final_body(%arg0: i32, %arg1: memref<1264x128xf32, #tpu.memory_space<vmem>>, %arg2: memref<1264x128xf32, #tpu.memory_space<vmem>>, %arg3: memref<1264x128xf32, #tpu.memory_space<vmem>>, %arg4: memref<1264x2xf32, #tpu.memory_space<vmem>>, %arg5: memref<1264x128xf32, #tpu.memory_space<vmem>>) attributes {dimension_semantics = [#tpu.dimension_semantics<arbitrary>], iteration_bounds = array<i64: 8>, scalar_prefetch = 0 : i64, scratch_operands = 0 : i64, tpu.core_type = #tpu.core_type<tc>, window_params = [{transform_indices = @transform_0, window_bounds = array<i64: 1264, 128>}, {transform_indices = @transform_1, window_bounds = array<i64: 1264, 128>}, {transform_indices = @transform_2, window_bounds = array<i64: 1264, 128>}, {transform_indices = @transform_3, window_bounds = array<i64: 1264, 2>}, {transform_indices = @transform_4, window_bounds = array<i64: 1264, 128>}]} {
    %get3A = arith.constant 0 : index
    %get3A_0 = arith.constant 0 : index
    %get3A_1 = vector.load %arg4[%get3A, %get3A_0] : memref<1264x2xf32, #tpu.memory_space<vmem>>, vector<1264x1xf32>
    %get3A_2 = arith.constant 0 : index
    %get3A_3 = arith.constant 1 : index
    %get3A_4 = vector.load %arg4[%get3A_2, %get3A_3] : memref<1264x2xf32, #tpu.memory_space<vmem>>, vector<1264x1xf32>
    %add3A = arith.addf %get3A_1, %get3A_4 : vector<1264x1xf32>
    %add3A_5 = arith.constant 1.000000e+00 : f32
    %add3A_6 = vector.broadcast %add3A_5 : f32 to vector<1264x1xf32>
    %add3A_7 = arith.addf %add3A, %add3A_6 : vector<1264x1xf32>
    %rsqrt3A = math.rsqrt %add3A_7 : vector<1264x1xf32>
    %get3A_8 = arith.constant 0 : index
    %get3A_9 = arith.constant 0 : index
    %get3A_10 = vector.load %arg1[%get3A_8, %get3A_9] : memref<1264x128xf32, #tpu.memory_space<vmem>>, vector<1264x128xf32>
    %get3A_11 = arith.constant 0 : index
    %get3A_12 = arith.constant 0 : index
    %get3A_13 = vector.load %arg2[%get3A_11, %get3A_12] : memref<1264x128xf32, #tpu.memory_space<vmem>>, vector<1264x128xf32>
    %add3A_14 = arith.addf %get3A_10, %get3A_13 : vector<1264x128xf32>
    %get3A_15 = arith.constant 0 : index
    %get3A_16 = arith.constant 0 : index
    %get3A_17 = vector.load %arg3[%get3A_15, %get3A_16] : memref<1264x128xf32, #tpu.memory_space<vmem>>, vector<1264x128xf32>
    %add3A_18 = arith.addf %add3A_14, %get3A_17 : vector<1264x128xf32>
    %mul3A = vector.broadcast %rsqrt3A : vector<1264x1xf32> to vector<1264x128xf32>
    %mul3A_19 = arith.mulf %add3A_18, %mul3A : vector<1264x128xf32>
    %swap3A = arith.constant 0 : index
    %swap3A_20 = arith.constant 0 : index
    %swap3A_21 = vector.load %arg5[%swap3A, %swap3A_20] : memref<1264x128xf32, #tpu.memory_space<vmem>>, vector<1264x128xf32>
    tpu.vector_store %arg5[%swap3A, %swap3A_20], %mul3A_19 {strides = array<i32>} : memref<1264x128xf32, #tpu.memory_space<vmem>>, vector<1264x128xf32>,
    return
  }
  func.func @transform_0(%arg0: i32) -> (i32, i32) {
    %c0_i32 = arith.constant 0 : i32
    %c0_i32_0 = arith.constant 0 : i32
    return %arg0, %c0_i32 : i32, i32
  }
  func.func @transform_1(%arg0: i32) -> (i32, i32) {
    %add3A = arith.constant 8 : i32
    %add3A_0 = arith.addi %arg0, %add3A : i32
    %c0_i32 = arith.constant 0 : i32
    %c0_i32_1 = arith.constant 0 : i32
    return %add3A_0, %c0_i32 : i32, i32
  }
  func.func @transform_2(%arg0: i32) -> (i32, i32) {
    %c0_i32 = arith.constant 0 : i32
    %c0_i32_0 = arith.constant 0 : i32
    return %arg0, %c0_i32 : i32, i32
  }
  func.func @transform_3(%arg0: i32) -> (i32, i32) {
    %c0_i32 = arith.constant 0 : i32
    %c0_i32_0 = arith.constant 0 : i32
    return %arg0, %c0_i32 : i32, i32
  }
  func.func @transform_4(%arg0: i32) -> (i32, i32) {
    %c0_i32 = arith.constant 0 : i32
    %c0_i32_0 = arith.constant 0 : i32
    return %arg0, %c0_i32 : i32, i32
  }
}

</mosaic_0001>

<sc_bundles>
// kernel: kernel.6.cloned.1.call-start
scs
__scs_entry_jumppad:
0x0: {  	(pc) =	sbr.rel $0x88, $3  }
0x1: {  	(tag) =	ssettag $0x0;
	lr =	simm.s32 $0x1  }
0x2: {  	[smem:$0x3F9E] =	sst lr;
	_ =	strace $0xD0000000  }
0x3: {  	_ = 	snop  }
0x4: {  	_ = 	snop  }
0x5: {  	_ = 	snop  }
0x6: {  	_ = 	snop  }
0x7: {  	_ = 	snop  }
__scs_overlays_trampoline_lowered:
0x8: {  	[smem:$0x3FAD] =	sst s0  }
0x9: {  	[smem:$0x3FAE] =	sst s1  }
0xa: {  	[smem:$0x3FAF] =	sst s2  }
0xb: {  	[smem:$0x3FB0] =	sst s3  }
0xc: {  	[smem:$0x3FB1] =	sst s4  }
0xd: {  	[smem:$0x3FB2] =	sst s5  }
0xe: {  	[smem:$0x3FB3] =	sst s6  }
0xf: {  	[smem:$0x3FB4] =	sst s7  }
0x10: {  	[smem:$0x3FB5] =	sst s8  }
0x11: {  	[smem:$0x3FB6] =	sst s9;
	s0 =	simm.s32 @!p0 $0x0  }
0x12: {  	s1 =	sld [smem:$0x3F9C];
	s0 =	simm.s32 @p0 $0x1  }
0x13: {  	[smem:$0x3FB7] =	sst s0;
	s0 =	simm.s32 @!p1 $0x0  }
0x14: {  	s2 =	sld [smem:$0x3F9B];
	s0 =	simm.s32 @p1 $0x1  }
0x15: {  	[smem:$0x3FB8] =	sst s0;
	s0 =	simm.s32 @!p2 $0x0  }
0x16: {  	s3 =	sld [smem:$0x3FDB];
	s0 =	simm.s32 @p2 $0x1  }
0x17: {  	s4 =	simm.s32 $0x1BF5;
	[smem:$0x3FBA] =	sst s0  }
0x18: {  	s0 =	sld [smem:$0x3F9D];
	_ =	swait.ge [sflag:s4], $0x0  }
0x19: {  	s7 =	sld [smem:$0x3F9E]  }
0x1a: {  	s8 =	sadd.s32 $0xFFFFE003, lr  }
0x1b: {  	s9 =	sadd.s32 $0xFFFFFEF7, lr;
	s5 =	simm.s32 $0xFFFFFFFF;
	p2 =	slt.u32 s8, $0xFFFFF086  }
0x1c: {  	p1 =	slt.u32 s9, $0xF7A;
	s5 =	simm.s32 @!p2 $0x0  }
0x1d: {  	s5 =	simm.s32 @p1 $0x1;
	p0 =	seq.s32 s7, s2  }
0x1e: {  	s7 =	smul.u32 @!p0 $0xF7A, s2;
	p2 =	seq.s32 @!p0 s5, $0x0  }
0x1f: {  	s9 =	smul.u32 $0xF7A, s1;
	s8 =	simm.s32 @!p0 $0x1BF5;
	p2 =	por !p2, p0  }
0x20: {  	[sflag:s8] =	ssyncset.s32 @!p0 $0xFFFFF086;
	s6 =	sadd.s32 @!p0 s3, s7;
	s7 =	simm.s32 @!p0 $0x108  }
0x21: {  	s3 =	sadd.s32 s3, s9;
	s6 =	sadd.s32 @!p0 $0x88, s6;
	s7 =	simm.s32 @p2 $0x1082  }
0x22: {  	[simem:s7], [sflag:s8] =	dma.local @!p0 [hbm:s6], $0xF7A  }
0x23: {  	s9 =	sor.u32 $0xD0000000, s2;
	s6 =	simm.s32 $0x108;
	_ =	swait.ge @!p0 [sflag:s8], $0x0  }
0x24: {  	s3 =	sadd.s32 $0x88, s3;
	s6 =	simm.s32 @!p1 $0x1082;
	[sflag:s4] =	ssyncset.s32 $0xFFFFF086  }
0x25: {  	[simem:s6], [sflag:s4] =	dma.local [hbm:s3], $0xF7A  }
0x26: {  	[smem:$0x3F9E] =	sst s1;
	(tag) =	ssettag s2;
	_ =	strace s9  }
0x27: {  	s1 =	sld [smem:$0x3FAE]  }
0x28: {  	s2 =	sld [smem:$0x3FAF]  }
0x29: {  	s4 =	sld [smem:$0x3FB1]  }
0x2a: {  	p0 =	seq.s32 s5, $0x0;
	s5 =	sld [smem:$0x3FB2]  }
0x2b: {  	s6 =	sld [smem:$0x3FB3]  }
0x2c: {  	s7 =	sld [smem:$0x3FB4]  }
0x2d: {  	s3 =	simm.s32 $0x108;
	s8 =	sld [smem:$0x3FB5]  }
0x2e: {  	s3 =	simm.s32 @!p0 $0x1082;
	s9 =	sld [smem:$0x3FB6]  }
0x2f: {  	lr =	sadd.s32 s0, s3;
	s0 =	sld [smem:$0x3FAD]  }
0x30: {  	s3 =	sld [smem:$0x3FB0]  }
0x31: {  	[smem:$0x3FB9] =	sst s10  }
0x32: {  	s10 =	sld [smem:$0x3FB7];
	_ =	sdelay $0x3  }
0x33: {  	p0 =	seq.s32 s10, $0x1;
	s10 =	sld [smem:$0x3FB9];
	_ =	sdelay $0x3  }
0x34: {  	[smem:$0x3FB9] =	sst s10  }
0x35: {  	s10 =	sld [smem:$0x3FB8];
	_ =	sdelay $0x3  }
0x36: {  	p1 =	seq.s32 s10, $0x1;
	s10 =	sld [smem:$0x3FB9];
	_ =	sdelay $0x3  }
0x37: {  	[smem:$0x3FB9] =	sst s10  }
0x38: {  	s10 =	sld [smem:$0x3FBA]  }
0x39: {  	_ = 	snop;
	(pc) =	sbr.ind lr, $3  }
0x3a: {  	_ = 	snop  }
0x3b: {  	_ = 	snop  }
0x3c: {  	p2 =	seq.s32 s10, $0x1;
	s10 =	sld [smem:$0x3FB9]  }
0x3d: {  	_ =	shalt  }
0x3e: {  	_ =	shalt  }
0x3f: {  	_ =	shalt  }
0x40: {  	_ =	shalt  }
0x41: {  	_ =	shalt  }
0x42: {  	_ =	shalt  }
0x43: {  	_ =	shalt  }
0x44: {  	_ =	shalt  }
0x45: {  	_ =	shalt  }
0x46: {  	_ =	shalt  }
0x47: {  	_ =	shalt  }
0x48: {  	_ =	shalt  }
0x49: {  	_ =	shalt  }
0x4a: {  	_ =	shalt  }
0x4b: {  	_ =	shalt  }
0x4c: {  	_ =	shalt  }
0x4d: {  	_ =	shalt  }
0x4e: {  	_ =	shalt  }
0x4f: {  	_ =	shalt  }
0x50: {  	_ =	shalt  }
0x51: {  	_ =	shalt  }
0x52: {  	_ =	shalt  }
0x53: {  	_ =	shalt  }
0x54: {  	_ =	shalt  }
0x55: {  	_ =	shalt  }
0x56: {  	_ =	shalt  }
0x57: {  	_ =	shalt  }
0x58: {  	_ =	shalt  }
0x59: {  	_ =	shalt  }
0x5a: {  	_ =	shalt  }
0x5b: {  	_ =	shalt  }
0x5c: {  	_ =	shalt  }
0x5d: {  	_ =	shalt  }
0x5e: {  	_ =	shalt  }
0x5f: {  	_ =	shalt  }
0x60: {  	_ =	shalt  }
0x61: {  	_ =	shalt  }
0x62: {  	_ =	shalt  }
0x63: {  	_ =	shalt  }
0x64: {  	_ =	shalt  }
0x65: {  	_ =	shalt  }
0x66: {  	_ =	shalt  }
0x67: {  	_ =	shalt  }
0x68: {  	_ =	shalt  }
0x69: {  	_ =	shalt  }
0x6a: {  	_ =	shalt  }
0x6b: {  	_ =	shalt  }
0x6c: {  	_ =	shalt  }
0x6d: {  	_ =	shalt  }
0x6e: {  	_ =	shalt  }
0x6f: {  	_ =	shalt  }
0x70: {  	_ =	shalt  }
0x71: {  	_ =	shalt  }
0x72: {  	_ =	shalt  }
0x73: {  	_ =	shalt  }
0x74: {  	_ =	shalt  }
0x75: {  	_ =	shalt  }
0x76: {  	_ =	shalt  }
0x77: {  	_ =	shalt  }
0x78: {  	_ =	shalt  }
0x79: {  	_ =	shalt  }
0x7a: {  	_ =	shalt  }
0x7b: {  	_ =	shalt  }
0x7c: {  	_ =	shalt  }
0x7d: {  	_ =	shalt  }
0x7e: {  	_ =	shalt  }
0x7f: {  	_ =	shalt  }
0x80: {  	_ =	shalt  }
0x81: {  	_ =	shalt  }
0x82: {  	_ =	shalt  }
0x83: {  	_ =	shalt  }
0x84: {  	_ =	shalt  }
0x85: {  	_ =	shalt  }
0x86: {  	_ =	shalt  }
0x87: {  	_ =	shalt  }
.Lfunc_end0:
.L_simem_size_0:
called_computation_lowered:
.L_overlay_start_0:
0x88: {  	s2 =	sld [smem:$0x3FD9]  }
0x89: {  	s3 =	sld [smem:$0x3FFE];
	_ =	sdelay $0x1  }
0x8a: {  	s1 =	srdreg.scid  }
0x8b: {  	s0 =	sand.u32 $0x1, s1  }
0x8c: {  	s17 =	sshll.u32 s0, $0xA;
	s2 =	sadd.s32 s3, s2  }
0x8d: {  	s2 =	sadd.s32 s2, s17  }
0x8e: {  	[smem:$0x3FC5] =	sst s2  }
0x8f: {  	_ = 	snop  }
0x90: {  	s2 =	sld [smem:$0x3FD0];
	(tm) =	ssettm $0x1  }
0x91: {  	s18 =	sld [smem:$0x3FFB];
	_ =	sdelay $0x3  }
0x92: {  	_ =	strace s18  }
0x93: {  	s3 =	sld [smem:$0x3FFC];
	_ =	sdelay $0x3  }
0x94: {  	_ =	strace s3  }
0x95: {  	s3 =	sld [smem:$0x3FFD];
	_ =	sdelay $0x3  }
0x96: {  	_ =	strace s3  }
0x97: {  	_ =	strace $0x8FFFFFFF  }
0x98: {  	s19 =	sld [smem:$0x3FDB];
	_ =	sdelay $0x1  }
0x99: {  	s4 =	simm.s32 $_scs_section_size  }
0x9a: {  	s5 =	simm.s32 $_size__tile_overlayer_lowered;
	s6 =	simm.s32 $_tile_overlayer_lowered  }
0x9b: {  	s22 =	simm.s32 $0x1BFF;
	s21 =	sshll.u32 s6, $0x1;
	s3 =	sadd.s32 s4, s19  }
0x9c: {  	s7 =	simm.s32 $0x0;
	s20 =	sshll.u32 s5, $0x1;
	s5 =	sadd.s32 s21, s3  }
0x9d: {  	[timem:s7], [sflag:s22] =	dma.local [hbm:s5], s20  }
0x9e: {  	_ =	swait.ge [sflag:s22], s20  }
0x9f: {  	s4 =	ssub.s32 $0x0, s20;
	[sflag:s22] =	ssyncset.done $0x0  }
0xa0: {  	[sflag:s22] =	ssyncadd.s32 s4;
	_ =	sdelay $0x1  }
0xa1: {  	s23 =	simm.s32 $0x1B8B  }
0xa2: {  	_ =	swait.ge [sflag:s23], $0x1  }
0xa3: {  	[sflag:s23] =	ssyncset.done $0x0  }
0xa4: {  	s25 =	simm.s32 $0x1B8E;
	s24 =	sld [smem:$0x3FFE];
	[sflag:s23] =	ssyncadd.s32 $0xFFFFFFFF  }
0xa5: {  	s26 =	simm.s32 $execute0_lowered;
	[smem:$0x3FD2] =	sst s25  }
0xa6: {  	s5 =	sshll.u32 s26, $0x1;
	_ =	strace $0x80000046;
	[dreg:$0x1] =	wrdreg $0xFFFFFFFF  }
0xa7: {  	s28 =	simm.s32 $_size_execute0_lowered;
	s3 =	sadd.s32 s3, s5;
	[dreg:$0x0] =	wrdreg $0x0  }
0xa8: {  	s5 =	sshll.u32 s28, $0x1;
	[dreg:$0x2] =	wrdreg s3  }
0xa9: {  	[dreg:$0x3] =	wrdreg s5  }
0xaa: {  	[dreg:$0x4] =	wrdreg $0xC0  }
0xab: {  	_ =	task [dreg:s7], $0x5FFFF  }
0xac: {  	[dreg:$0x1] =	wrdreg $0xFFFFFFFF  }
0xad: {  	[dreg:$0x0] =	wrdreg $0x60  }
0xae: {  	[dreg:$0x2] =	wrdreg s2  }
0xaf: {  	[dreg:$0x3] =	wrdreg s24  }
0xb0: {  	[dreg:$0x4] =	wrdreg $0x2F000  }
0xb1: {  	[dreg:$0x5] =	wrdreg $0x9  }
0xb2: {  	_ =	task.clear_ibuf [dreg:s7], $0x6FFFF;
	_ =	strace $0x90000046  }
0xb3: {  	s29 =	simm.s32 $0x9;
	_ =	strace $0x80000048  }
0xb4: {  	_ =	swait.ge [sflag:s29], $0x1  }
0xb5: {  	[sflag:s29] =	ssyncadd.s32 $0xFFFFFFFF  }
0xb6: {  	_ =	strace $0x90000048  }
0xb7: {  	_ =	sfence  }
0xb8: {  	s30 =	sld [smem:$0x0];
	_ =	sdelay $0x2  }
0xb9: {  	s31 =	sshll.u32 s1, $0xD;
	s1 =	sshrl.u32 s1, $0x2  }
0xba: {  	s3 =	sand.u32 $0x4000, s31;
	s1 =	sadd.s32 s1, s30  }
0xbb: {  	s0 =	sor.u32 s3, s0;
	s1 =	sshll.u32 s1, $0x11  }
0xbc: {  	s0 =	sor.u32 s1, s0  }
0xbd: {  	s0 =	sadd.s32 $0x8F2B, s0  }
0xbe: {  	[sflag:s0] =	ssyncadd.remote.s32 $0x1  }
0xbf: {  	_ =	sfence.sel $0xFFFF  }
0xc0: {  	[dreg:$0x0] =	wrdreg $0xFFFFFFFF;
	(pc) =	sbr.abs _section_cstart, $3  }
0xc1: {  	[dreg:$0x1] =	wrdreg $0xFFFFFFFF  }
0xc2: {  	_ =	task.clear_ibuf [dreg:s7], $0x2FFFF;
	_ =	strace $0x9FFFFFFF  }
0xc3: {  	(tm) =	ssettm $0x7FFFFFFF  }
tec
execute0_lowered:
.L_overlay_start_1:
0x0: {  	(tag) =	ssettag $0x1  }
0x1: {  	s4 =	rddreg [dreg:$0x0];
	s1 =	srdreg.scid  }
0x2: {  	s5 =	rddreg [dreg:$0x1];
	s0 =	stileid.u32  }
0x3: {  	s2 =	rddreg [dreg:$0x2];
	s11 =	simm.s32 $0x2C00;
	s14 =	simm.s32 $0x10  }
0x4: {  	s15 =	simm.s32 $0x0;
	s6 =	sand.u32 $0x1, s1;
	s28 =	smul.u32 $0xA00, s0  }
0x5: {  	s3 =	sshrl.u32 s0, $0x3;
	s1 =	rddreg [dreg:$0x3];
	s7 =	smul.u32 $0x2800, s6  }
0x6: {  	s9 =	sshll.u32 s0, $0x7;
	s12 =	sshll.u32 s0, $0x6;
	s8 =	smul.u32 $0x1400, s3  }
0x7: {  	s3 =	simm.s32 $0x0;
	s10 =	sshll.u32 s6, $0x4;
	s24 =	sand.u32 $0x380, s9  }
0x8: {  	s6 =	ssub.s32 $0x2, s6;
	s9 =	simm.s32 $0x2C80;
	s12 =	sor.u32 $0x1C01, s12  }
0x9: {  	s25 =	sor.u32 s0, s10;
	[smem:$0x7FF] =	sst s3;
	s29 =	sshrl.u32 s6, $0x1  }
0xa: {  	s31 =	sshrl.u32 s28, $0x2;
	s10 =	simm.s32 $0x80;
	s7 =	sadd.s32 s7, s8  }
0xb: {  	s26 =	smul.u32 $0x580, s25;
	_ =	strace $0x80000047;
	s7 =	sor.u32 s24, s7  }
0xc: {  	s30 =	ssub.s32 s6, s29;
	s8 =	simm.s32 $0x1;
	s7 =	sshrl.u32 s7, $0x3  }
0xd: {  	s4 =	sadd.s32 s4, s26;
	s7 =	sadd.s32 s7, s5;
	s5 =	sadd.s32 s31, s2  }
0xe: {  	v0 =	vimm.f32 $1.000000000e+00;
	v1 =	vimm.f32 $0.0e+00;
	s6 =	sadd.s32 $0x1000, s7;
	s7 =	smax.u32 s30, $0x1;
	s13 =	sshrl.u32 s5, $0x3  }
.LBB2_1:
0xf: {  	[tilespmem:s3], [sflag:$0x1] =	stream.linear.gather [hbm4b:s4+s3], $0x2880, $0x38;
	[tilespmem:$0x3180] =	vst v63  }
0x10: {  	_ =	swait.ge [sflag:s8], $0x2880  }
0x11: {  	[sflag:s8] =	ssyncset.done $0x0  }
0x12: {  	[sflag:s8] =	ssyncadd.s32 $0xFFFFD780  }
0x13: {  	[tilespmem:$0x2C00] =	vst v0  }
0x14: {  	[tilespmem:$0x2C10] =	vst v0  }
0x15: {  	[tilespmem:$0x2C20] =	vst v0  }
0x16: {  	[tilespmem:$0x2C30] =	vst v0  }
0x17: {  	[tilespmem:$0x2C40] =	vst v0  }
0x18: {  	[tilespmem:$0x2C50] =	vst v0  }
0x19: {  	[tilespmem:$0x2C60] =	vst v0  }
0x1a: {  	[tilespmem:$0x2C70] =	vst v0  }
0x1b: {  	[tilespmem:$0x2C80] =	vst v1  }
0x1c: {  	[tilespmem:$0x2C90] =	vst v1  }
0x1d: {  	[tilespmem:$0x2CA0] =	vst v1  }
0x1e: {  	[tilespmem:$0x2CB0] =	vst v1  }
0x1f: {  	[tilespmem:$0x2CC0] =	vst v1  }
0x20: {  	[tilespmem:$0x2CD0] =	vst v1  }
0x21: {  	[tilespmem:$0x2CE0] =	vst v1  }
0x22: {  	[tilespmem:$0x2CF0] =	vst v1  }
0x23: {  	[tilespmem:$0x2D00] =	vst v1  }
0x24: {  	[tilespmem:$0x2D10] =	vst v1  }
0x25: {  	[tilespmem:$0x2D20] =	vst v1  }
0x26: {  	[tilespmem:$0x2D30] =	vst v1  }
0x27: {  	[tilespmem:$0x2D40] =	vst v1  }
0x28: {  	[tilespmem:$0x2D50] =	vst v1  }
0x29: {  	[tilespmem:$0x2D60] =	vst v1  }
0x2a: {  	[tilespmem:$0x2D70] =	vst v1  }
0x2b: {  	[tilespmem:$0x2D80] =	vst v1  }
0x2c: {  	[tilespmem:$0x2D90] =	vst v1  }
0x2d: {  	[tilespmem:$0x2DA0] =	vst v1  }
0x2e: {  	[tilespmem:$0x2DB0] =	vst v1  }
0x2f: {  	[tilespmem:$0x2DC0] =	vst v1  }
0x30: {  	[tilespmem:$0x2DD0] =	vst v1  }
0x31: {  	[tilespmem:$0x2DE0] =	vst v1  }
0x32: {  	[tilespmem:$0x2DF0] =	vst v1  }
0x33: {  	[tilespmem:$0x2E00] =	vst v1  }
0x34: {  	[tilespmem:$0x2E10] =	vst v1  }
0x35: {  	[tilespmem:$0x2E20] =	vst v1  }
0x36: {  	[tilespmem:$0x2E30] =	vst v1  }
0x37: {  	[tilespmem:$0x2E40] =	vst v1  }
0x38: {  	[tilespmem:$0x2E50] =	vst v1  }
0x39: {  	[tilespmem:$0x2E60] =	vst v1  }
0x3a: {  	[tilespmem:$0x2E70] =	vst v1  }
0x3b: {  	[tilespmem:$0x2E80] =	vst v1  }
0x3c: {  	[tilespmem:$0x2E90] =	vst v1  }
0x3d: {  	[tilespmem:$0x2EA0] =	vst v1  }
0x3e: {  	[tilespmem:$0x2EB0] =	vst v1  }
0x3f: {  	[tilespmem:$0x2EC0] =	vst v1  }
0x40: {  	[tilespmem:$0x2ED0] =	vst v1  }
0x41: {  	[tilespmem:$0x2EE0] =	vst v1  }
0x42: {  	[tilespmem:$0x2EF0] =	vst v1  }
0x43: {  	[spmem:s5] =	stream.linear.scatter [tilespmem:s9], [sflag:$0x1], $0x280, $0x38;
	[tilespmem:$0x3180] =	vst v63  }
0x44: {  	_ =	swait.ge [sflag:s8], $0x280  }
0x45: {  	[sflag:s8] =	ssyncset.done $0x0  }
0x46: {  	[sflag:s8] =	ssyncadd.s32 $0xFFFFFD80  }
0x47: {  	s16 =	simm.s32 $0x0;
	[bflag:$0x0] =	sbarrier.arrive $0xFFFF  }
0x48: {  	[spmem:s2] =	stream.indirect.scatter.add.f32 [tilespmem:s11], [sflag:$0x1], $0x1, s16, s10, $0xb8;
	[tilespmem:$0x3180] =	vst v63  }
0x49: {  	_ =	swait.ge [sflag:s8], $0x80  }
0x4a: {  	s16 =	simm.s32 $0x200;
	[sflag:s8] =	ssyncset.done $0x0  }
.LBB2_2:
0x4b: {  	s17 =	sshra.s32 s16, $0x2;
	[sflag:s8] =	ssyncadd.s32 $0xFFFFFF80;
	p0 =	sne.s32 s16, $0xA000  }
0x4c: {  	[spmem:s2] =	stream.indirect.scatter.add.f32 [tilespmem:s11], [sflag:$0x1], $0x1, s17, s10, $0xb8;
	[tilespmem:$0x3180] =	vst v63  }
.Ltmp0:
0x4d: {  	_ = 	snop;
	(pc) =	sbr.rel @p0 .LBB2_2-.Ltmp0, $4  }
0x4e: {  	_ = 	snop  }
0x4f: {  	s16 =	sadd.s32 $0x200, s16  }
0x50: {  	_ =	swait.ge [sflag:s8], $0x80  }
0x51: {  	[sflag:s8] =	ssyncset.done $0x0  }
0x52: {  	s15 =	sadd.s32 $0x1, s15  }
0x53: {  	[sflag:s8] =	ssyncadd.s32 $0xFFFFFF80;
	p0 =	sne.s32 s15, s7  }
.Ltmp1:
0x54: {  	[bflag:$0x0] =	sbarrier.arrive $0xFFFF;
	(pc) =	sbr.rel @p0 .LBB2_1-.Ltmp1, $4  }
0x55: {  	[hbm:s6@s10], [sflag:s12] =	dma.strided [spmem:s13@s14], $0x50, s8, $0x10   }
0x56: {  	_ =	swait.ge [sflag:s8], $0x50  }
0x57: {  	[sflag:s8] =	ssyncset.done $0x0  }
0x58: {  	[sflag:s8] =	ssyncadd.s32 $0xFFFFFFB0  }
0x59: {  	_ =	sfence.sel $0x180000  }
0x5a: {  	[bflag:$0x0] =	sbarrier.arrive $0xFFFF  }
0x5b: {  	p0 =	sne.s32 s0, $0x0;
	_ =	strace $0x90000047  }
0x5c: {  	s0 =	sadd.s32 @!p0 $0x100000, s1;
	[bflag:$0x2] =	sbarrier.arrive $0xFFFF  }
0x5d: {  	[sflag:s0] =	ssyncadd.tile.s32 @!p0 $0x1;
	_ =	shalt  }
.Lfunc_end2:
_tile_overlayer_lowered:
.L_overlay_start_2:
0x5e: {  	(tag) =	ssettag $0x2  }
0x5f: {  	s0 =	rddreg [dreg:$0x0];
	s2 =	stileid.u32  }
0x60: {  	s1 =	rddreg [dreg:$0x1];
	p0 =	sne.s32 s2, $0x0  }
0x61: {  	s3 =	rddreg [dreg:$0x2];
	[bflag:$0x3] =	sbarrier.arrive $0xFFFF;
	s2 =	simm.s32 @!p0 $0x1C01  }
0x62: {  	[timem:s3], [sflag:s2] =	dma.local @!p0 [hbm:s0], s1  }
0x63: {  	s0 =	simm.s32 @!p0 $0x1  }
0x64: {  	_ =	swait.ge @!p0 [sflag:s0], s1  }
0x65: {  	s1 =	ssub.s32 @!p0 $0x0, s1;
	[sflag:s0] =	ssyncset.done @!p0 $0x0  }
0x66: {  	[sflag:s0] =	ssyncadd.s32 @!p0 s1  }
0x67: {  	[bflag:$0x3] =	sbarrier.arrive $0xFFFF  }
0x68: {  	_ =	shalt  }

// kernel: kernel.9.cloned.1.call-start
scs
__scs_entry_jumppad:
0x0: {  	(pc) =	sbr.rel $0x88, $3  }
0x1: {  	(tag) =	ssettag $0x0;
	lr =	simm.s32 $0x1  }
0x2: {  	[smem:$0x3F9E] =	sst lr;
	_ =	strace $0xD0000000  }
0x3: {  	_ = 	snop  }
0x4: {  	_ = 	snop  }
0x5: {  	_ = 	snop  }
0x6: {  	_ = 	snop  }
0x7: {  	_ = 	snop  }
__scs_overlays_trampoline_lowered:
0x8: {  	[smem:$0x3FAD] =	sst s0  }
0x9: {  	[smem:$0x3FAE] =	sst s1  }
0xa: {  	[smem:$0x3FAF] =	sst s2  }
0xb: {  	[smem:$0x3FB0] =	sst s3  }
0xc: {  	[smem:$0x3FB1] =	sst s4  }
0xd: {  	[smem:$0x3FB2] =	sst s5  }
0xe: {  	[smem:$0x3FB3] =	sst s6  }
0xf: {  	[smem:$0x3FB4] =	sst s7  }
0x10: {  	[smem:$0x3FB5] =	sst s8  }
0x11: {  	[smem:$0x3FB6] =	sst s9;
	s0 =	simm.s32 @!p0 $0x0  }
0x12: {  	s1 =	sld [smem:$0x3F9C];
	s0 =	simm.s32 @p0 $0x1  }
0x13: {  	[smem:$0x3FB7] =	sst s0;
	s0 =	simm.s32 @!p1 $0x0  }
0x14: {  	s2 =	sld [smem:$0x3F9B];
	s0 =	simm.s32 @p1 $0x1  }
0x15: {  	[smem:$0x3FB8] =	sst s0;
	s0 =	simm.s32 @!p2 $0x0  }
0x16: {  	s3 =	sld [smem:$0x3FDB];
	s0 =	simm.s32 @p2 $0x1  }
0x17: {  	s4 =	simm.s32 $0x1BF5;
	[smem:$0x3FBA] =	sst s0  }
0x18: {  	s0 =	sld [smem:$0x3F9D];
	_ =	swait.ge [sflag:s4], $0x0  }
0x19: {  	s7 =	sld [smem:$0x3F9E]  }
0x1a: {  	s8 =	sadd.s32 $0xFFFFE003, lr  }
0x1b: {  	s9 =	sadd.s32 $0xFFFFFEF7, lr;
	s5 =	simm.s32 $0xFFFFFFFF;
	p2 =	slt.u32 s8, $0xFFFFF086  }
0x1c: {  	p1 =	slt.u32 s9, $0xF7A;
	s5 =	simm.s32 @!p2 $0x0  }
0x1d: {  	s5 =	simm.s32 @p1 $0x1;
	p0 =	seq.s32 s7, s2  }
0x1e: {  	s7 =	smul.u32 @!p0 $0xF7A, s2;
	p2 =	seq.s32 @!p0 s5, $0x0  }
0x1f: {  	s9 =	smul.u32 $0xF7A, s1;
	s8 =	simm.s32 @!p0 $0x1BF5;
	p2 =	por !p2, p0  }
0x20: {  	[sflag:s8] =	ssyncset.s32 @!p0 $0xFFFFF086;
	s6 =	sadd.s32 @!p0 s3, s7;
	s7 =	simm.s32 @!p0 $0x108  }
0x21: {  	s3 =	sadd.s32 s3, s9;
	s6 =	sadd.s32 @!p0 $0x88, s6;
	s7 =	simm.s32 @p2 $0x1082  }
0x22: {  	[simem:s7], [sflag:s8] =	dma.local @!p0 [hbm:s6], $0xF7A  }
0x23: {  	s9 =	sor.u32 $0xD0000000, s2;
	s6 =	simm.s32 $0x108;
	_ =	swait.ge @!p0 [sflag:s8], $0x0  }
0x24: {  	s3 =	sadd.s32 $0x88, s3;
	s6 =	simm.s32 @!p1 $0x1082;
	[sflag:s4] =	ssyncset.s32 $0xFFFFF086  }
0x25: {  	[simem:s6], [sflag:s4] =	dma.local [hbm:s3], $0xF7A  }
0x26: {  	[smem:$0x3F9E] =	sst s1;
	(tag) =	ssettag s2;
	_ =	strace s9  }
0x27: {  	s1 =	sld [smem:$0x3FAE]  }
0x28: {  	s2 =	sld [smem:$0x3FAF]  }
0x29: {  	s4 =	sld [smem:$0x3FB1]  }
0x2a: {  	p0 =	seq.s32 s5, $0x0;
	s5 =	sld [smem:$0x3FB2]  }
0x2b: {  	s6 =	sld [smem:$0x3FB3]  }
0x2c: {  	s7 =	sld [smem:$0x3FB4]  }
0x2d: {  	s3 =	simm.s32 $0x108;
	s8 =	sld [smem:$0x3FB5]  }
0x2e: {  	s3 =	simm.s32 @!p0 $0x1082;
	s9 =	sld [smem:$0x3FB6]  }
0x2f: {  	lr =	sadd.s32 s0, s3;
	s0 =	sld [smem:$0x3FAD]  }
0x30: {  	s3 =	sld [smem:$0x3FB0]  }
0x31: {  	[smem:$0x3FB9] =	sst s10  }
0x32: {  	s10 =	sld [smem:$0x3FB7];
	_ =	sdelay $0x3  }
0x33: {  	p0 =	seq.s32 s10, $0x1;
	s10 =	sld [smem:$0x3FB9];
	_ =	sdelay $0x3  }
0x34: {  	[smem:$0x3FB9] =	sst s10  }
0x35: {  	s10 =	sld [smem:$0x3FB8];
	_ =	sdelay $0x3  }
0x36: {  	p1 =	seq.s32 s10, $0x1;
	s10 =	sld [smem:$0x3FB9];
	_ =	sdelay $0x3  }
0x37: {  	[smem:$0x3FB9] =	sst s10  }
0x38: {  	s10 =	sld [smem:$0x3FBA]  }
0x39: {  	_ = 	snop;
	(pc) =	sbr.ind lr, $3  }
0x3a: {  	_ = 	snop  }
0x3b: {  	_ = 	snop  }
0x3c: {  	p2 =	seq.s32 s10, $0x1;
	s10 =	sld [smem:$0x3FB9]  }
0x3d: {  	_ =	shalt  }
0x3e: {  	_ =	shalt  }
0x3f: {  	_ =	shalt  }
0x40: {  	_ =	shalt  }
0x41: {  	_ =	shalt  }
0x42: {  	_ =	shalt  }
0x43: {  	_ =	shalt  }
0x44: {  	_ =	shalt  }
0x45: {  	_ =	shalt  }
0x46: {  	_ =	shalt  }
0x47: {  	_ =	shalt  }
0x48: {  	_ =	shalt  }
0x49: {  	_ =	shalt  }
0x4a: {  	_ =	shalt  }
0x4b: {  	_ =	shalt  }
0x4c: {  	_ =	shalt  }
0x4d: {  	_ =	shalt  }
0x4e: {  	_ =	shalt  }
0x4f: {  	_ =	shalt  }
0x50: {  	_ =	shalt  }
0x51: {  	_ =	shalt  }
0x52: {  	_ =	shalt  }
0x53: {  	_ =	shalt  }
0x54: {  	_ =	shalt  }
0x55: {  	_ =	shalt  }
0x56: {  	_ =	shalt  }
0x57: {  	_ =	shalt  }
0x58: {  	_ =	shalt  }
0x59: {  	_ =	shalt  }
0x5a: {  	_ =	shalt  }
0x5b: {  	_ =	shalt  }
0x5c: {  	_ =	shalt  }
0x5d: {  	_ =	shalt  }
0x5e: {  	_ =	shalt  }
0x5f: {  	_ =	shalt  }
0x60: {  	_ =	shalt  }
0x61: {  	_ =	shalt  }
0x62: {  	_ =	shalt  }
0x63: {  	_ =	shalt  }
0x64: {  	_ =	shalt  }
0x65: {  	_ =	shalt  }
0x66: {  	_ =	shalt  }
0x67: {  	_ =	shalt  }
0x68: {  	_ =	shalt  }
0x69: {  	_ =	shalt  }
0x6a: {  	_ =	shalt  }
0x6b: {  	_ =	shalt  }
0x6c: {  	_ =	shalt  }
0x6d: {  	_ =	shalt  }
0x6e: {  	_ =	shalt  }
0x6f: {  	_ =	shalt  }
0x70: {  	_ =	shalt  }
0x71: {  	_ =	shalt  }
0x72: {  	_ =	shalt  }
0x73: {  	_ =	shalt  }
0x74: {  	_ =	shalt  }
0x75: {  	_ =	shalt  }
0x76: {  	_ =	shalt  }
0x77: {  	_ =	shalt  }
0x78: {  	_ =	shalt  }
0x79: {  	_ =	shalt  }
0x7a: {  	_ =	shalt  }
0x7b: {  	_ =	shalt  }
0x7c: {  	_ =	shalt  }
0x7d: {  	_ =	shalt  }
0x7e: {  	_ =	shalt  }
0x7f: {  	_ =	shalt  }
0x80: {  	_ =	shalt  }
0x81: {  	_ =	shalt  }
0x82: {  	_ =	shalt  }
0x83: {  	_ =	shalt  }
0x84: {  	_ =	shalt  }
0x85: {  	_ =	shalt  }
0x86: {  	_ =	shalt  }
0x87: {  	_ =	shalt  }
.Lfunc_end0:
.L_simem_size_0:
called_computation.1_lowered:
.L_overlay_start_0:
0x88: {  	s2 =	sld [smem:$0x3FD9]  }
0x89: {  	s3 =	sld [smem:$0x3FFE];
	_ =	sdelay $0x1  }
0x8a: {  	s1 =	srdreg.scid  }
0x8b: {  	s0 =	sand.u32 $0x1, s1  }
0x8c: {  	s17 =	sshll.u32 s0, $0xA;
	s2 =	sadd.s32 s3, s2  }
0x8d: {  	s2 =	sadd.s32 s2, s17  }
0x8e: {  	[smem:$0x3FC5] =	sst s2  }
0x8f: {  	_ = 	snop  }
0x90: {  	s2 =	sld [smem:$0x3FD0];
	(tm) =	ssettm $0x1  }
0x91: {  	s18 =	sld [smem:$0x3FFB];
	_ =	sdelay $0x3  }
0x92: {  	_ =	strace s18  }
0x93: {  	s3 =	sld [smem:$0x3FFC];
	_ =	sdelay $0x3  }
0x94: {  	_ =	strace s3  }
0x95: {  	s3 =	sld [smem:$0x3FFD];
	_ =	sdelay $0x3  }
0x96: {  	_ =	strace s3  }
0x97: {  	_ =	strace $0x8FFFFFFF  }
0x98: {  	s19 =	sld [smem:$0x3FDB];
	_ =	sdelay $0x1  }
0x99: {  	s4 =	simm.s32 $_scs_section_size  }
0x9a: {  	s5 =	simm.s32 $_size__tile_overlayer_lowered;
	s6 =	simm.s32 $_tile_overlayer_lowered  }
0x9b: {  	s22 =	simm.s32 $0x1BFF;
	s21 =	sshll.u32 s6, $0x1;
	s3 =	sadd.s32 s4, s19  }
0x9c: {  	s7 =	simm.s32 $0x0;
	s20 =	sshll.u32 s5, $0x1;
	s5 =	sadd.s32 s21, s3  }
0x9d: {  	[timem:s7], [sflag:s22] =	dma.local [hbm:s5], s20  }
0x9e: {  	_ =	swait.ge [sflag:s22], s20  }
0x9f: {  	s4 =	ssub.s32 $0x0, s20;
	[sflag:s22] =	ssyncset.done $0x0  }
0xa0: {  	[sflag:s22] =	ssyncadd.s32 s4;
	_ =	sdelay $0x1  }
0xa1: {  	s23 =	simm.s32 $0x1B8B  }
0xa2: {  	_ =	swait.ge [sflag:s23], $0x1  }
0xa3: {  	[sflag:s23] =	ssyncset.done $0x0  }
0xa4: {  	s25 =	simm.s32 $0x1B8E;
	s24 =	sld [smem:$0x3FFE];
	[sflag:s23] =	ssyncadd.s32 $0xFFFFFFFF  }
0xa5: {  	s26 =	simm.s32 $execute0_lowered;
	[smem:$0x3FD2] =	sst s25  }
0xa6: {  	s5 =	sshll.u32 s26, $0x1;
	_ =	strace $0x80000049;
	[dreg:$0x1] =	wrdreg $0xFFFFFFFF  }
0xa7: {  	s28 =	simm.s32 $_size_execute0_lowered;
	s3 =	sadd.s32 s3, s5;
	[dreg:$0x0] =	wrdreg $0x0  }
0xa8: {  	s5 =	sshll.u32 s28, $0x1;
	[dreg:$0x2] =	wrdreg s3  }
0xa9: {  	[dreg:$0x3] =	wrdreg s5  }
0xaa: {  	[dreg:$0x4] =	wrdreg $0xC0  }
0xab: {  	_ =	task [dreg:s7], $0x5FFFF  }
0xac: {  	[dreg:$0x1] =	wrdreg $0xFFFFFFFF  }
0xad: {  	[dreg:$0x0] =	wrdreg $0x60  }
0xae: {  	[dreg:$0x2] =	wrdreg s24  }
0xaf: {  	[dreg:$0x3] =	wrdreg s2  }
0xb0: {  	[dreg:$0x4] =	wrdreg $0xC3000  }
0xb1: {  	[dreg:$0x5] =	wrdreg $0x9  }
0xb2: {  	_ =	task.clear_ibuf [dreg:s7], $0x6FFFF;
	_ =	strace $0x90000049  }
0xb3: {  	s29 =	simm.s32 $0x9;
	_ =	strace $0x8000004B  }
0xb4: {  	_ =	swait.ge [sflag:s29], $0x1  }
0xb5: {  	[sflag:s29] =	ssyncadd.s32 $0xFFFFFFFF  }
0xb6: {  	_ =	strace $0x9000004B  }
0xb7: {  	_ =	sfence  }
0xb8: {  	s30 =	sld [smem:$0x0];
	_ =	sdelay $0x2  }
0xb9: {  	s31 =	sshll.u32 s1, $0xD;
	s1 =	sshrl.u32 s1, $0x2  }
0xba: {  	s3 =	sand.u32 $0x4000, s31;
	s1 =	sadd.s32 s1, s30  }
0xbb: {  	s0 =	sor.u32 s3, s0;
	s1 =	sshll.u32 s1, $0x11  }
0xbc: {  	s0 =	sor.u32 s1, s0  }
0xbd: {  	s0 =	sadd.s32 $0x8F2B, s0  }
0xbe: {  	[sflag:s0] =	ssyncadd.remote.s32 $0x1  }
0xbf: {  	_ =	sfence.sel $0xFFFF  }
0xc0: {  	[dreg:$0x0] =	wrdreg $0xFFFFFFFF;
	(pc) =	sbr.abs _section_cstart, $3  }
0xc1: {  	[dreg:$0x1] =	wrdreg $0xFFFFFFFF  }
0xc2: {  	_ =	task.clear_ibuf [dreg:s7], $0x2FFFF;
	_ =	strace $0x9FFFFFFF  }
0xc3: {  	(tm) =	ssettm $0x7FFFFFFF  }
tec
execute0_lowered:
.L_overlay_start_1:
0x0: {  	(tag) =	ssettag $0x1  }
0x1: {  	s0 =	srdreg.scid;
	s1 =	rddreg [dreg:$0x0]  }
0x2: {  	s2 =	rddreg [dreg:$0x1];
	s5 =	stileid.u32  }
0x3: {  	s3 =	rddreg [dreg:$0x2];
	s28 =	simm.s32 $0xA;
	s29 =	simm.s32 $0x80  }
0x4: {  	s30 =	simm.s32 $0x8;
	s31 =	simm.s32 $0xB;
	s11 =	simm.s32 $0x9  }
0x5: {  	s12 =	simm.s32 $0xC;
	s13 =	simm.s32 $0x8000;
	s0 =	sand.u32 $0x1, s0  }
0x6: {  	s14 =	simm.s32 $0x2;
	s9 =	smul.u32 $0x4F000, s5;
	s4 =	sshll.u32 s0, $0x4  }
0x7: {  	s6 =	sadd.s32 $0x1A00, s1;
	s0 =	ssub.s32 $0x2, s0;
	s7 =	sor.u32 s5, s4  }
0x8: {  	s4 =	simm.s32 $0x0;
	s5 =	sadd.s32 $0xCA00, s1;
	s15 =	sshrl.u32 s9, $0x2  }
0x9: {  	s16 =	sshrl.u32 s0, $0x1;
	[smem:$0x7FF] =	sst s4;
	s21 =	sadd.s32 s15, s3  }
0xa: {  	_ =	strace $0x8000004A;
	s17 =	sadd.s32 $0x4000, s21;
	[dreg:$0x4] =	wrdreg s21  }
0xb: {  	s8 =	smul.u32 $0x2780, s7;
	s18 =	sadd.s32 $0x8000, s21;
	[dreg:$0x5] =	wrdreg s17  }
0xc: {  	s0 =	ssub.s32 s0, s16;
	s19 =	sadd.s32 $0xC000, s21;
	[dreg:$0x6] =	wrdreg s18  }
0xd: {  	s15 =	simm.s32 $0x4;
	s20 =	sadd.s32 $0x10000, s21;
	[dreg:$0x7] =	wrdreg s19  }
0xe: {  	s16 =	simm.s32 $0x3;
	s0 =	smax.u32 s0, $0x1;
	[dreg:$0x8] =	wrdreg s20  }
0xf: {  	s1 =	sadd.s32 s8, s1;
	s8 =	smul.u32 $0x2C00, s7;
	[dreg:$0x10] =	wrdreg s0  }
0x10: {  	s19 =	simm.s32 $0xD;
	s0 =	simm.s32 $0x1;
	s17 =	simm.s32 $0x5  }
0x11: {  	s18 =	simm.s32 $0x6;
	s1 =	sadd.s32 $0x34200, s1;
	s22 =	sshrl.u32 s8, $0x3  }
0x12: {  	s20 =	simm.s32 $0x0;
	[dreg:$0xf] =	wrdreg s1;
	s23 =	sadd.s32 s6, s22  }
0x13: {  	s24 =	sadd.s32 s2, s22;
	s25 =	sor.u32 $0x10, s22;
	[dreg:$0x9] =	wrdreg s23  }
0x14: {  	s1 =	simm.s32 $0x4000;
	[dreg:$0xa] =	wrdreg s24;
	s10 =	sadd.s32 s6, s25  }
0x15: {  	s7 =	sor.u32 $0x20, s22;
	s9 =	sadd.s32 s2, s25;
	[dreg:$0xb] =	wrdreg s10  }
0x16: {  	s22 =	simm.s32 $0xC000;
	s26 =	sadd.s32 s6, s7;
	[dreg:$0xc] =	wrdreg s9  }
0x17: {  	s7 =	sadd.s32 s2, s7;
	s23 =	simm.s32 $0xC180;
	[dreg:$0xd] =	wrdreg s26  }
0x18: {  	s24 =	simm.s32 $0xC080;
	s25 =	simm.s32 $0xC200;
	[dreg:$0xe] =	wrdreg s7  }
0x19: {  	v0 =	vimm.f32 $0.0e+00;
	s26 =	simm.s32 $0x7;
	s9 =	simm.s32 $0xC100;
	s10 =	simm.s32 $0xC280  }
.LBB2_1:
0x1a: {  	[dreg:$0x11] =	wrdreg s20;
	s7 =	simm.s32 $0x0;
	s20 =	simm.s32 $0x200  }
.LBB2_2:
0x1b: {  	p0 =	sne.s32 s20, $0xFE00;
	[tilespmem:s7+$0x70] =	vst v0  }
0x1c: {  	[tilespmem:s7+$0x0] =	vst v0  }
0x1d: {  	[tilespmem:s7+$0x10] =	vst v0  }
.Ltmp0:
0x1e: {  	[tilespmem:s7+$0x20] =	vst v0;
	(pc) =	sbr.rel @p0 .LBB2_2-.Ltmp0, $4  }
0x1f: {  	[tilespmem:s7+$0x30] =	vst v0  }
0x20: {  	[tilespmem:s7+$0x40] =	vst v0  }
0x21: {  	[tilespmem:s7+$0x50] =	vst v0  }
0x22: {  	[tilespmem:s7+$0x60] =	vst v0;
	s7 =	sshra.s32 s20, $0x2;
	s20 =	sadd.s32 $0x200, s20  }
0x23: {  	[tilespmem:s7+$0x70] =	vst v0  }
0x24: {  	[tilespmem:s7+$0x0] =	vst v0  }
0x25: {  	[tilespmem:s7+$0x10] =	vst v0  }
0x26: {  	[tilespmem:s7+$0x20] =	vst v0  }
0x27: {  	[tilespmem:s7+$0x30] =	vst v0  }
0x28: {  	[tilespmem:s7+$0x40] =	vst v0  }
0x29: {  	[tilespmem:s7+$0x50] =	vst v0  }
0x2a: {  	[tilespmem:s7+$0x60] =	vst v0  }
0x2b: {  	[spmem:s21] =	stream.linear.scatter [tilespmem:s4], [sflag:$0xD], $0x4000, $0x38;
	[tilespmem:$0x1FF00] =	vst v63  }
0x2c: {  	_ =	swait.ge [sflag:s19], $0x4000  }
0x2d: {  	[sflag:s19] =	ssyncset.done $0x0  }
0x2e: {  	s20 =	rddreg [dreg:$0x5];
	[sflag:s19] =	ssyncadd.s32 $0xFFFFC000  }
0x2f: {  	[spmem:s20] =	stream.linear.scatter [tilespmem:s4], [sflag:$0xD], $0x4000, $0x38;
	[tilespmem:$0x1FF00] =	vst v63  }
0x30: {  	_ =	swait.ge [sflag:s19], $0x4000  }
0x31: {  	[sflag:s19] =	ssyncset.done $0x0  }
0x32: {  	s21 =	rddreg [dreg:$0x6];
	[sflag:s19] =	ssyncadd.s32 $0xFFFFC000  }
0x33: {  	[spmem:s21] =	stream.linear.scatter [tilespmem:s4], [sflag:$0xD], $0x4000, $0x38;
	[tilespmem:$0x1FF00] =	vst v63  }
0x34: {  	_ =	swait.ge [sflag:s19], $0x4000  }
0x35: {  	[sflag:s19] =	ssyncset.done $0x0  }
0x36: {  	s20 =	rddreg [dreg:$0x7];
	[sflag:s19] =	ssyncadd.s32 $0xFFFFC000  }
0x37: {  	[spmem:s20] =	stream.linear.scatter [tilespmem:s4], [sflag:$0xD], $0x4000, $0x38;
	[tilespmem:$0x1FF00] =	vst v63  }
0x38: {  	_ =	swait.ge [sflag:s19], $0x4000  }
0x39: {  	[sflag:s19] =	ssyncset.done $0x0  }
0x3a: {  	s21 =	rddreg [dreg:$0x8];
	[sflag:s19] =	ssyncadd.s32 $0xFFFFC000  }
0x3b: {  	[spmem:s21] =	stream.linear.scatter [tilespmem:s4], [sflag:$0xD], $0x3C00, $0x38;
	[tilespmem:$0x1FF00] =	vst v63  }
0x3c: {  	_ =	swait.ge [sflag:s19], $0x3C00  }
0x3d: {  	[sflag:s19] =	ssyncset.done $0x0  }
0x3e: {  	[sflag:s19] =	ssyncadd.s32 $0xFFFFC400  }
0x3f: {  	[bflag:$0x0] =	sbarrier.arrive $0xFFFF  }
0x40: {  	s19 =	rddreg [dreg:$0x9]  }
0x41: {  	[tilespmem:s22], [sflag:$0x7] =	stream.linear.gather [hbm4b:s19+s4], $0x80, $0x38;
	[tilespmem:$0x1FF00] =	vst v63  }
0x42: {  	s20 =	rddreg [dreg:$0xa]  }
0x43: {  	[tilespmem:s23], [sflag:$0xA] =	stream.linear.gather [hbm4b:s20+s4], $0x80, $0x38;
	[tilespmem:$0x1FF00] =	vst v63  }
0x44: {  	s21 =	rddreg [dreg:$0xb]  }
0x45: {  	[tilespmem:s24], [sflag:$0x8] =	stream.linear.gather [hbm4b:s21+s4], $0x80, $0x38;
	[tilespmem:$0x1FF00] =	vst v63  }
0x46: {  	s19 =	rddreg [dreg:$0xc]  }
0x47: {  	[tilespmem:s25], [sflag:$0xB] =	stream.linear.gather [hbm4b:s19+s4], $0x80, $0x38;
	[tilespmem:$0x1FF00] =	vst v63  }
0x48: {  	_ =	swait.ge [sflag:s26], $0x80  }
0x49: {  	[sflag:s26] =	ssyncset.done $0x0  }
0x4a: {  	[sflag:s26] =	ssyncadd.s32 $0xFFFFFF80  }
0x4b: {  	_ =	swait.ge [sflag:s28], $0x80  }
0x4c: {  	[sflag:s28] =	ssyncset.done $0x0  }
0x4d: {  	[sflag:s28] =	ssyncadd.s32 $0xFFFFFF80  }
0x4e: {  	[tilespmem:s4], [sflag:$0x1] =	stream.indirect.gather [hbm4b:s5+s29], $0x80, s22, s29, $0xb8;
	[tilespmem:$0x1FF00] =	vst v63  }
0x4f: {  	_ =	swait.ge [sflag:s30], $0x80  }
0x50: {  	[sflag:s30] =	ssyncset.done $0x0  }
0x51: {  	[sflag:s30] =	ssyncadd.s32 $0xFFFFFF80  }
0x52: {  	_ =	swait.ge [sflag:s31], $0x80  }
0x53: {  	[sflag:s31] =	ssyncset.done $0x0  }
0x54: {  	[sflag:s31] =	ssyncadd.s32 $0xFFFFFF80  }
0x55: {  	[tilespmem:s1], [sflag:$0x2] =	stream.indirect.gather [hbm4b:s5+s29], $0x80, s24, s29, $0xb8;
	[tilespmem:$0x1FF00] =	vst v63  }
0x56: {  	_ =	swait.ge [sflag:s0], $0x4000  }
0x57: {  	[sflag:s0] =	ssyncset.done $0x0  }
0x58: {  	[sflag:s0] =	ssyncadd.s32 $0xFFFFC000  }
0x59: {  	[spmem:s3] =	stream.indirect.scatter.add.f32 [tilespmem:s4], [sflag:$0x4], $0x80, s23, s29, $0xb8;
	[tilespmem:$0x1FF00] =	vst v63  }
0x5a: {  	s20 =	rddreg [dreg:$0xd]  }
0x5b: {  	[tilespmem:s9], [sflag:$0x9] =	stream.linear.gather [hbm4b:s20+s4], $0x80, $0x38;
	[tilespmem:$0x1FF00] =	vst v63  }
0x5c: {  	s21 =	rddreg [dreg:$0xe]  }
0x5d: {  	[tilespmem:s10], [sflag:$0xC] =	stream.linear.gather [hbm4b:s21+s4], $0x80, $0x38;
	[tilespmem:$0x1FF00] =	vst v63  }
0x5e: {  	_ =	swait.ge [sflag:s11], $0x80  }
0x5f: {  	[sflag:s11] =	ssyncset.done $0x0  }
0x60: {  	[sflag:s11] =	ssyncadd.s32 $0xFFFFFF80  }
0x61: {  	_ =	swait.ge [sflag:s12], $0x80  }
0x62: {  	[sflag:s12] =	ssyncset.done $0x0  }
0x63: {  	[sflag:s12] =	ssyncadd.s32 $0xFFFFFF80  }
0x64: {  	[tilespmem:s13], [sflag:$0x3] =	stream.indirect.gather [hbm4b:s5+s29], $0x80, s9, s29, $0xb8;
	[tilespmem:$0x1FF00] =	vst v63  }
0x65: {  	s19 =	simm.s32 $0x180;
	_ =	swait.ge [sflag:s14], $0x4000  }
0x66: {  	s20 =	sand.u32 $0x7C00, s19;
	[sflag:s14] =	ssyncset.done $0x0  }
0x67: {  	s7 =	sand.u32 $0x380, s19;
	s19 =	sadd.s32 s8, s20;
	[sflag:s14] =	ssyncadd.s32 $0xFFFFC000  }
0x68: {  	[spmem:s3] =	stream.indirect.scatter.add.f32 [tilespmem:s1], [sflag:$0x5], $0x80, s25, s29, $0xb8;
	[tilespmem:$0x1FF00] =	vst v63  }
0x69: {  	s7 =	sor.u32 s7, s19;
	_ =	swait.ge [sflag:s15], $0x4000  }
0x6a: {  	s7 =	sshrl.u32 s7, $0x3;
	[sflag:s15] =	ssyncset.done $0x0  }
0x6b: {  	s21 =	sadd.s32 s6, s7;
	[sflag:s15] =	ssyncadd.s32 $0xFFFFC000  }
0x6c: {  	[tilespmem:s22], [sflag:$0x7] =	stream.linear.gather [hbm4b:s21+s4], $0x80, $0x38;
	[tilespmem:$0x1FF00] =	vst v63  }
0x6d: {  	s7 =	sadd.s32 s2, s7  }
0x6e: {  	[tilespmem:s23], [sflag:$0xA] =	stream.linear.gather [hbm4b:s7+s4], $0x80, $0x38;
	[tilespmem:$0x1FF00] =	vst v63  }
0x6f: {  	_ =	swait.ge [sflag:s26], $0x80  }
0x70: {  	[sflag:s26] =	ssyncset.done $0x0  }
0x71: {  	[sflag:s26] =	ssyncadd.s32 $0xFFFFFF80  }
0x72: {  	_ =	swait.ge [sflag:s28], $0x80  }
0x73: {  	[sflag:s28] =	ssyncset.done $0x0  }
0x74: {  	[sflag:s28] =	ssyncadd.s32 $0xFFFFFF80  }
0x75: {  	[tilespmem:s4], [sflag:$0x1] =	stream.indirect.gather [hbm4b:s5+s29], $0x80, s22, s29, $0xb8;
	[tilespmem:$0x1FF00] =	vst v63  }
0x76: {  	s20 =	simm.s32 $0x200;
	_ =	swait.ge [sflag:s16], $0x4000  }
0x77: {  	s21 =	sand.u32 $0x7C00, s20;
	[sflag:s16] =	ssyncset.done $0x0  }
0x78: {  	s19 =	sadd.s32 s8, s21;
	s7 =	sand.u32 $0x380, s20;
	[sflag:s16] =	ssyncadd.s32 $0xFFFFC000  }
0x79: {  	[spmem:s3] =	stream.indirect.scatter.add.f32 [tilespmem:s13], [sflag:$0x6], $0x80, s10, s29, $0xb8;
	[tilespmem:$0x1FF00] =	vst v63  }
0x7a: {  	s7 =	sor.u32 s7, s19;
	_ =	swait.ge [sflag:s17], $0x4000  }
0x7b: {  	s7 =	sshrl.u32 s7, $0x3;
	[sflag:s17] =	ssyncset.done $0x0  }
0x7c: {  	s20 =	sadd.s32 s6, s7;
	[sflag:s17] =	ssyncadd.s32 $0xFFFFC000  }
0x7d: {  	[tilespmem:s24], [sflag:$0x8] =	stream.linear.gather [hbm4b:s20+s4], $0x80, $0x38;
	[tilespmem:$0x1FF00] =	vst v63  }
0x7e: {  	s7 =	sadd.s32 s2, s7  }
0x7f: {  	[tilespmem:s25], [sflag:$0xB] =	stream.linear.gather [hbm4b:s7+s4], $0x80, $0x38;
	[tilespmem:$0x1FF00] =	vst v63  }
0x80: {  	_ =	swait.ge [sflag:s30], $0x80  }
0x81: {  	[sflag:s30] =	ssyncset.done $0x0  }
0x82: {  	[sflag:s30] =	ssyncadd.s32 $0xFFFFFF80  }
0x83: {  	_ =	swait.ge [sflag:s31], $0x80  }
0x84: {  	[sflag:s31] =	ssyncset.done $0x0  }
0x85: {  	[sflag:s31] =	ssyncadd.s32 $0xFFFFFF80  }
0x86: {  	[tilespmem:s1], [sflag:$0x2] =	stream.indirect.gather [hbm4b:s5+s29], $0x80, s24, s29, $0xb8;
	[tilespmem:$0x1FF00] =	vst v63  }
0x87: {  	s21 =	simm.s32 $0x280;
	_ =	swait.ge [sflag:s0], $0x4000  }
0x88: {  	s20 =	sand.u32 $0x7C00, s21;
	[sflag:s0] =	ssyncset.done $0x0  }
0x89: {  	s19 =	sadd.s32 s8, s20;
	s7 =	sand.u32 $0x380, s21;
	[sflag:s0] =	ssyncadd.s32 $0xFFFFC000  }
0x8a: {  	[spmem:s3] =	stream.indirect.scatter.add.f32 [tilespmem:s4], [sflag:$0x4], $0x80, s23, s29, $0xb8;
	[tilespmem:$0x1FF00] =	vst v63  }
0x8b: {  	s7 =	sor.u32 s7, s19;
	_ =	swait.ge [sflag:s18], $0x4000  }
0x8c: {  	s20 =	simm.s32 $0x400;
	s7 =	sshrl.u32 s7, $0x3;
	[sflag:s18] =	ssyncset.done $0x0  }
0x8d: {  	s21 =	sadd.s32 s6, s7;
	s19 =	sadd.s32 s2, s7;
	[sflag:s18] =	ssyncadd.s32 $0xFFFFC000  }
0x8e: {  	[tilespmem:s9], [sflag:$0x9] =	stream.linear.gather [hbm4b:s21+s4], $0x80, $0x38;
	[tilespmem:$0x1FF00] =	vst v63  }
.LBB2_4:
0x8f: {  	p0 =	sne.s32 s20, $0x2800;
	s7 =	smov.u32 s20;
	s20 =	sadd.s32 $0x180, s20  }
0x90: {  	[tilespmem:s10], [sflag:$0xC] =	stream.linear.gather [hbm4b:s19+s4], $0x80, $0x38;
	[tilespmem:$0x1FF00] =	vst v63  }
0x91: {  	_ =	swait.ge [sflag:s11], $0x80  }
0x92: {  	[sflag:s11] =	ssyncset.done $0x0  }
0x93: {  	[sflag:s11] =	ssyncadd.s32 $0xFFFFFF80  }
0x94: {  	_ =	swait.ge [sflag:s12], $0x80  }
0x95: {  	[sflag:s12] =	ssyncset.done $0x0  }
0x96: {  	[sflag:s12] =	ssyncadd.s32 $0xFFFFFF80  }
0x97: {  	[tilespmem:s13], [sflag:$0x3] =	stream.indirect.gather [hbm4b:s5+s29], $0x80, s9, s29, $0xb8;
	[tilespmem:$0x1FF00] =	vst v63  }
0x98: {  	_ =	swait.ge [sflag:s14], $0x4000  }
0x99: {  	s19 =	sadd.s32 $0xFFFFFF00, s7;
	[sflag:s14] =	ssyncset.done $0x0  }
0x9a: {  	s21 =	sand.u32 $0x7C00, s19;
	s19 =	sand.u32 $0x380, s19;
	[sflag:s14] =	ssyncadd.s32 $0xFFFFC000  }
0x9b: {  	[spmem:s3] =	stream.indirect.scatter.add.f32 [tilespmem:s1], [sflag:$0x5], $0x80, s25, s29, $0xb8;
	[tilespmem:$0x1FF00] =	vst v63  }
0x9c: {  	s21 =	sadd.s32 s8, s21;
	_ =	swait.ge [sflag:s15], $0x4000  }
0x9d: {  	s19 =	sor.u32 s19, s21;
	[sflag:s15] =	ssyncset.done $0x0  }
0x9e: {  	s19 =	sshrl.u32 s19, $0x3;
	[sflag:s15] =	ssyncadd.s32 $0xFFFFC000  }
0x9f: {  	s21 =	sadd.s32 s6, s19;
	s19 =	sadd.s32 s2, s19  }
0xa0: {  	[tilespmem:s22], [sflag:$0x7] =	stream.linear.gather [hbm4b:s21+s4], $0x80, $0x38;
	[tilespmem:$0x1FF00] =	vst v63  }
0xa1: {  	_ = 	snop  }
0xa2: {  	[tilespmem:s23], [sflag:$0xA] =	stream.linear.gather [hbm4b:s19+s4], $0x80, $0x38;
	[tilespmem:$0x1FF00] =	vst v63  }
0xa3: {  	_ =	swait.ge [sflag:s26], $0x80  }
0xa4: {  	[sflag:s26] =	ssyncset.done $0x0  }
0xa5: {  	[sflag:s26] =	ssyncadd.s32 $0xFFFFFF80  }
0xa6: {  	_ =	swait.ge [sflag:s28], $0x80  }
0xa7: {  	[sflag:s28] =	ssyncset.done $0x0  }
0xa8: {  	[sflag:s28] =	ssyncadd.s32 $0xFFFFFF80  }
0xa9: {  	[tilespmem:s4], [sflag:$0x1] =	stream.indirect.gather [hbm4b:s5+s29], $0x80, s22, s29, $0xb8;
	[tilespmem:$0x1FF00] =	vst v63  }
0xaa: {  	s19 =	sadd.s32 $0xFFFFFF80, s7;
	_ =	swait.ge [sflag:s16], $0x4000  }
0xab: {  	s21 =	sand.u32 $0x7C00, s19;
	s19 =	sand.u32 $0x380, s19;
	[sflag:s16] =	ssyncset.done $0x0  }
0xac: {  	s21 =	sadd.s32 s8, s21;
	[sflag:s16] =	ssyncadd.s32 $0xFFFFC000  }
0xad: {  	[spmem:s3] =	stream.indirect.scatter.add.f32 [tilespmem:s13], [sflag:$0x6], $0x80, s10, s29, $0xb8;
	[tilespmem:$0x1FF00] =	vst v63  }
0xae: {  	s19 =	sor.u32 s19, s21;
	_ =	swait.ge [sflag:s17], $0x4000  }
0xaf: {  	s19 =	sshrl.u32 s19, $0x3;
	[sflag:s17] =	ssyncset.done $0x0  }
0xb0: {  	s21 =	sadd.s32 s6, s19;
	s19 =	sadd.s32 s2, s19;
	[sflag:s17] =	ssyncadd.s32 $0xFFFFC000  }
0xb1: {  	[tilespmem:s24], [sflag:$0x8] =	stream.linear.gather [hbm4b:s21+s4], $0x80, $0x38;
	[tilespmem:$0x1FF00] =	vst v63  }
0xb2: {  	_ = 	snop  }
0xb3: {  	[tilespmem:s25], [sflag:$0xB] =	stream.linear.gather [hbm4b:s19+s4], $0x80, $0x38;
	[tilespmem:$0x1FF00] =	vst v63  }
0xb4: {  	_ =	swait.ge [sflag:s30], $0x80  }
0xb5: {  	[sflag:s30] =	ssyncset.done $0x0  }
0xb6: {  	[sflag:s30] =	ssyncadd.s32 $0xFFFFFF80  }
0xb7: {  	_ =	swait.ge [sflag:s31], $0x80  }
0xb8: {  	[sflag:s31] =	ssyncset.done $0x0  }
0xb9: {  	[sflag:s31] =	ssyncadd.s32 $0xFFFFFF80  }
0xba: {  	[tilespmem:s1], [sflag:$0x2] =	stream.indirect.gather [hbm4b:s5+s29], $0x80, s24, s29, $0xb8;
	[tilespmem:$0x1FF00] =	vst v63  }
0xbb: {  	_ =	swait.ge [sflag:s0], $0x4000  }
0xbc: {  	s19 =	sand.u32 $0x7C00, s7;
	[sflag:s0] =	ssyncset.done $0x0  }
0xbd: {  	s7 =	sand.u32 $0x380, s7;
	s19 =	sadd.s32 s8, s19;
	[sflag:s0] =	ssyncadd.s32 $0xFFFFC000  }
0xbe: {  	[spmem:s3] =	stream.indirect.scatter.add.f32 [tilespmem:s4], [sflag:$0x4], $0x80, s23, s29, $0xb8;
	[tilespmem:$0x1FF00] =	vst v63  }
.Ltmp1:
0xbf: {  	_ = 	snop;
	(pc) =	sbr.rel @p0 .LBB2_4-.Ltmp1, $4  }
0xc0: {  	s7 =	sor.u32 s7, s19;
	_ =	swait.ge [sflag:s18], $0x4000  }
0xc1: {  	s7 =	sshrl.u32 s7, $0x3;
	[sflag:s18] =	ssyncset.done $0x0  }
0xc2: {  	s21 =	sadd.s32 s6, s7;
	s19 =	sadd.s32 s2, s7;
	[sflag:s18] =	ssyncadd.s32 $0xFFFFC000  }
0xc3: {  	[tilespmem:s9], [sflag:$0x9] =	stream.linear.gather [hbm4b:s21+s4], $0x80, $0x38;
	[tilespmem:$0x1FF00] =	vst v63  }
0xc4: {  	[tilespmem:s10], [sflag:$0xC] =	stream.linear.gather [hbm4b:s19+s4], $0x80, $0x38;
	[tilespmem:$0x1FF00] =	vst v63  }
0xc5: {  	_ =	swait.ge [sflag:s11], $0x80  }
0xc6: {  	[sflag:s11] =	ssyncset.done $0x0  }
0xc7: {  	[sflag:s11] =	ssyncadd.s32 $0xFFFFFF80  }
0xc8: {  	_ =	swait.ge [sflag:s12], $0x80  }
0xc9: {  	[sflag:s12] =	ssyncset.done $0x0  }
0xca: {  	[sflag:s12] =	ssyncadd.s32 $0xFFFFFF80  }
0xcb: {  	[tilespmem:s13], [sflag:$0x3] =	stream.indirect.gather [hbm4b:s5+s29], $0x80, s9, s29, $0xb8;
	[tilespmem:$0x1FF00] =	vst v63  }
0xcc: {  	_ =	swait.ge [sflag:s14], $0x4000  }
0xcd: {  	[sflag:s14] =	ssyncset.done $0x0  }
0xce: {  	[sflag:s14] =	ssyncadd.s32 $0xFFFFC000  }
0xcf: {  	[spmem:s3] =	stream.indirect.scatter.add.f32 [tilespmem:s1], [sflag:$0x5], $0x80, s25, s29, $0xb8;
	[tilespmem:$0x1FF00] =	vst v63  }
0xd0: {  	_ =	swait.ge [sflag:s15], $0x4000  }
0xd1: {  	[sflag:s15] =	ssyncset.done $0x0  }
0xd2: {  	[sflag:s15] =	ssyncadd.s32 $0xFFFFC000  }
0xd3: {  	_ =	swait.ge [sflag:s16], $0x4000  }
0xd4: {  	[sflag:s16] =	ssyncset.done $0x0  }
0xd5: {  	[sflag:s16] =	ssyncadd.s32 $0xFFFFC000  }
0xd6: {  	[spmem:s3] =	stream.indirect.scatter.add.f32 [tilespmem:s13], [sflag:$0x6], $0x80, s10, s29, $0xb8;
	[tilespmem:$0x1FF00] =	vst v63  }
0xd7: {  	_ =	swait.ge [sflag:s17], $0x4000  }
0xd8: {  	[sflag:s17] =	ssyncset.done $0x0  }
0xd9: {  	[sflag:s17] =	ssyncadd.s32 $0xFFFFC000  }
0xda: {  	_ =	swait.ge [sflag:s18], $0x4000  }
0xdb: {  	[sflag:s18] =	ssyncset.done $0x0  }
0xdc: {  	[sflag:s18] =	ssyncadd.s32 $0xFFFFC000  }
0xdd: {  	s7 =	stileid.u32;
	[bflag:$0x0] =	sbarrier.arrive $0xFFFF  }
0xde: {  	s7 =	sshll.u32 s7, $0x6;
	s21 =	rddreg [dreg:$0x4]  }
0xdf: {  	s7 =	sor.u32 $0x1C0D, s7;
	s20 =	rddreg [dreg:$0xf];
	s19 =	sshrl.u32 s21, $0x3  }
0xe0: {  	[hbm:s20], [sflag:s7] =	dma.local [spmem:s19], $0x2780  }
0xe1: {  	s19 =	simm.s32 $0xD  }
0xe2: {  	_ =	swait.ge [sflag:s19], $0x2780  }
0xe3: {  	s7 =	rddreg [dreg:$0x11]  }
0xe4: {  	s20 =	sadd.s32 $0x1, s7;
	s7 =	rddreg [dreg:$0x10]  }
0xe5: {  	p0 =	sne.s32 s20, s7  }
.Ltmp2:
0xe6: {  	_ = 	snop;
	(pc) =	sbr.rel @p0 .LBB2_1-.Ltmp2, $3  }
0xe7: {  	_ =	sdelay $0x1  }
0xe8: {  	[sflag:s19] =	ssyncset.done $0x0  }
0xe9: {  	[sflag:s19] =	ssyncadd.s32 $0xFFFFD880  }
0xea: {  	_ =	sfence.sel $0x180000  }
0xeb: {  	[bflag:$0x0] =	sbarrier.arrive $0xFFFF  }
0xec: {  	_ =	strace $0x9000004A  }
0xed: {  	s0 =	stileid.u32;
	[bflag:$0x2] =	sbarrier.arrive $0xFFFF  }
0xee: {  	p0 =	sne.s32 s0, $0x0;
	s0 =	rddreg [dreg:$0x3]  }
0xef: {  	s0 =	sadd.s32 @!p0 $0x100000, s0  }
0xf0: {  	[sflag:s0] =	ssyncadd.tile.s32 @!p0 $0x1;
	_ =	shalt  }
.Lfunc_end2:
_tile_overlayer_lowered:
.L_overlay_start_2:
0xf1: {  	(tag) =	ssettag $0x2  }
0xf2: {  	s0 =	rddreg [dreg:$0x0];
	s2 =	stileid.u32  }
0xf3: {  	s1 =	rddreg [dreg:$0x1];
	p0 =	sne.s32 s2, $0x0  }
0xf4: {  	s3 =	rddreg [dreg:$0x2];
	[bflag:$0x3] =	sbarrier.arrive $0xFFFF;
	s2 =	simm.s32 @!p0 $0x1C0D  }
0xf5: {  	[timem:s3], [sflag:s2] =	dma.local @!p0 [hbm:s0], s1  }
0xf6: {  	s0 =	simm.s32 @!p0 $0xD  }
0xf7: {  	_ =	swait.ge @!p0 [sflag:s0], s1  }
0xf8: {  	s1 =	ssub.s32 @!p0 $0x0, s1;
	[sflag:s0] =	ssyncset.done @!p0 $0x0  }
0xf9: {  	[sflag:s0] =	ssyncadd.s32 @!p0 s1  }
0xfa: {  	[bflag:$0x3] =	sbarrier.arrive $0xFFFF  }
0xfb: {  	_ =	shalt  }

</sc_bundles>
